<compile_context>
chip_gen: v7x
topology: tpu7x:2x2x1
jax: 0.10.2.dev20260603
libtpu: 0.0.44.dev20260713+nightly
codegen_flags: <defaults>
</compile_context>

<pallas_src>
import jax
import jax.numpy as jnp
import numpy as np
from jax import lax
from jax.experimental import pallas as pl
from jax.experimental.pallas import tpu as pltpu, tpu_sc as plsc

B = 16
C = 255
H = 64
W = 64
A = 3
CH = 85
HW = H * W
STRIDE = 8
_ANCHORS = np.array(
    [10, 13, 16, 30, 33, 23], dtype=np.float32
).reshape(3, 2) / float(STRIDE)
_AW = tuple(float(v) for v in (_ANCHORS[:, 0] / W))
_AH = tuple(float(v) for v in (_ANCHORS[:, 1] / H))

NC = 2
NS = 16
NW = NC * NS
CHUNK = 512
NJ = HW // CHUNK
TASKS = B * A * NJ
TPW = TASKS // NW
NV = CHUNK // 16


def _sc_body(x_hbm, o_hbm, xv, ov, sem):
    wid = lax.axis_index("s") * NC + lax.axis_index("c")
    lanes = lax.iota(jnp.int32, 16)

    def task(t, carry):
        task_id = wid * TPW + t
        ba = task_id // NJ
        j = task_id % NJ
        a = ba % A
        aw = jnp.where(a == 0, _AW[0], jnp.where(a == 1, _AW[1], _AW[2]))
        ah = jnp.where(a == 0, _AH[0], jnp.where(a == 1, _AH[1], _AH[2]))

        pltpu.sync_copy(x_hbm.at[ba, :, j, :], xv)

        @plsc.parallel_loop(0, NV, 1)
        def vecs(i):
            base = (lanes + i * 16) * CH

            @plsc.parallel_loop(4, CH, 1, unroll=8)
            def chan(c):
                v = xv[c, pl.ds(i * 16, 16)]
                sig = 1.0 / (1.0 + jnp.exp(-v))
                plsc.store_scatter(ov, [base + c], sig)

        p0 = j * CHUNK

        @plsc.parallel_loop(0, NV, 1, unroll=4)
        def vec_xy(i):
            ridx = lanes + i * 16
            pos = p0 + ridx
            gx = (pos % W).astype(jnp.float32)
            gy = (pos // W).astype(jnp.float32)
            v0 = xv[0, pl.ds(i * 16, 16)]
            v1 = xv[1, pl.ds(i * 16, 16)]
            s0 = 1.0 / (1.0 + jnp.exp(-v0))
            s1 = 1.0 / (1.0 + jnp.exp(-v1))
            fidx = ridx * CH
            plsc.store_scatter(ov, [fidx], (s0 + gx) * (1.0 / W))
            plsc.store_scatter(ov, [fidx + 1], (s1 + gy) * (1.0 / H))
            v2 = xv[2, pl.ds(i * 16, 16)]
            v3 = xv[3, pl.ds(i * 16, 16)]
            plsc.store_scatter(ov, [fidx + 2], jnp.exp(v2) * aw)
            plsc.store_scatter(ov, [fidx + 3], jnp.exp(v3) * ah)

        pltpu.sync_copy(ov, o_hbm.at[ba, j, :])
        return carry

    lax.fori_loop(0, TPW, task, 0)


@jax.jit
def kernel(x):
    xr = x.reshape(B * A, CH, NJ, CHUNK)
    mesh = plsc.VectorSubcoreMesh(
        core_axis_name="c", subcore_axis_name="s",
        num_cores=NC, num_subcores=NS)
    out = pl.kernel(
        _sc_body,
        out_type=jax.ShapeDtypeStruct((B * A, NJ, CHUNK * CH), jnp.float32),
        mesh=mesh,
        scratch_types=[
            pltpu.VMEM((CH, CHUNK), jnp.float32),
            pltpu.VMEM((CHUNK * CH,), jnp.float32),
            pltpu.SemaphoreType.DMA,
        ],
        compiler_params=pltpu.CompilerParams(needs_layout_passes=False),
    )(xr)
    return out.reshape(B, A * HW, CH)

# --- scband reference (transcript-rebuilt; emitter-appended) ---
"""Pipeline reference for scband-yolo-layer-6854767805041 (READ-ONLY COPY).

The authoritative reference and input builder live on the scoring server;
editing this copy changes nothing except your own understanding.
"""

import jax, jax.numpy as jnp
import numpy as np

B = 16
C = 255
H = 64
W = 64
ANCHOR_NUM = 3
CLASSES = 80
STRIDE = 8
_MASK = [0, 1, 2]
_ANCHORS = np.array([10,13,16,30,33,23,30,61,62,45,59,119,116,90,156,198,373,326], dtype=np.float32).reshape(9, 2)[_MASK] / float(STRIDE)


def setup_inputs(seed: int = 0) -> dict:
    key = jax.random.key(seed)
    x = jax.random.normal(key, (B, C, H, W), dtype=jnp.float32)
    return {"x": x}


def reference(x):
    Bx, Cx, Hx, Wx = x.shape
    grid_x = jnp.broadcast_to(jnp.arange(Wx, dtype=jnp.float32).reshape(1, Wx), (Hx, Wx)).reshape(1, 1, Hx, Wx)
    grid_y = jnp.broadcast_to(jnp.arange(Hx, dtype=jnp.float32).reshape(Hx, 1), (Hx, Wx)).reshape(1, 1, Hx, Wx)
    aw = jnp.asarray(_ANCHORS[:, 0]).reshape(1, ANCHOR_NUM, 1, 1)
    ah = jnp.asarray(_ANCHORS[:, 1]).reshape(1, ANCHOR_NUM, 1, 1)
    pred = x.reshape(Bx, ANCHOR_NUM, CLASSES + 5, Hx, Wx).transpose(0, 1, 3, 4, 2)
    pred_dx = jax.nn.sigmoid(pred[..., 0])
    pred_dy = jax.nn.sigmoid(pred[..., 1])
    pred_dw = pred[..., 2]
    pred_dh = pred[..., 3]
    pred_x = (pred_dx + grid_x) / Wx
    pred_y = (pred_dy + grid_y) / Hx
    pred_w = jnp.exp(pred_dw) * aw / Wx
    pred_h = jnp.exp(pred_dh) * ah / Hx
    pred_conf = jax.nn.sigmoid(pred[..., 4])
    pred_prob = jax.nn.sigmoid(pred[..., 5:])
    pred_xywhc = jnp.stack([pred_x, pred_y, pred_w, pred_h, pred_conf], -1)
    pred_bbox = jnp.concatenate([pred_xywhc, pred_prob], -1)
    return pred_bbox.reshape(Bx, -1, CLASSES + 5)

if __name__ == "__main__":
    import jax
    _d = setup_inputs()
    print(jax.jit(kernel)(*tuple(_d.values())))

</pallas_src>

<mosaic_0001>
#map = affine_map<(d0, d1) -> (0, 0, 0, 0)>
#map1 = affine_map<(d0, d1) -> (0, 0, 0)>
module attributes {stable_mosaic.version = 14 : i64} {
  func.func @_sc_body(%arg0: i32, %arg1: i32, %arg2: memref<48x85x8x512xf32, #tpu.memory_space<hbm>>, %arg3: memref<48x8x43520xf32, #tpu.memory_space<hbm>>, %arg4: memref<85x512xf32, #tpu.memory_space<vmem>>, %arg5: memref<43520xf32, #tpu.memory_space<vmem>>, %arg6: memref<!tpu.dma_semaphore, #tpu.memory_space<semaphore_mem>>) attributes {dimension_semantics = [#tpu.dimension_semantics<core_parallel>, #tpu.dimension_semantics<subcore_parallel>], iteration_bounds = array<i64: 2, 16>, scalar_prefetch = 0 : i64, scratch_operands = 3 : i64, tpu.core_type = #tpu.core_type<sc_vector_subcore>, window_params = [{transform_indices = #map}, {transform_indices = #map1}]} {
    %mul3A = arith.constant 2 : i32
    %mul3A_0 = arith.muli %arg1, %mul3A : i32
    %add3A = arith.addi %mul3A_0, %arg0 : i32
    %iota3A = tpu.iota {dimensions = array<i32: 0>} : vector<16xi32>
    %scan3A = arith.constant 0 : i32
    %scan3A_1 = arith.constant 0 : i32
    %scan3A_2 = arith.constant 12 : i32
    %scan3A_3 = arith.addi %scan3A_1, %scan3A_2 : i32
    %scan3A_4 = arith.constant 1 : i32
    scf.for %scan3A_6 = %scan3A_1 to %scan3A_3 step %scan3A_4  : i32 {
      %mul3A_7 = arith.constant 12 : i32
      %mul3A_8 = arith.muli %add3A, %mul3A_7 : i32
      %add3A_9 = arith.addi %mul3A_8, %scan3A_6 : i32
      %jit3A = arith.constant 8 : i32
      %div3A = arith.divsi %add3A_9, %jit3A : i32
      %sign3A = arith.constant 0 : i32
      %sign3A_10 = arith.cmpi sgt, %add3A_9, %sign3A : i32
      %sign3A_11 = arith.extui %sign3A_10 : i1 to i32
      %sign3A_12 = arith.constant 0 : i32
      %sign3A_13 = arith.cmpi slt, %add3A_9, %sign3A_12 : i32
      %sign3A_14 = arith.extui %sign3A_13 : i1 to i32
      %sign3A_15 = arith.subi %sign3A_11, %sign3A_14 : i32
      %sign3A_16 = arith.constant 0 : i32
      %sign3A_17 = arith.cmpi sgt, %jit3A, %sign3A_16 : i32
      %sign3A_18 = arith.extui %sign3A_17 : i1 to i32
      %sign3A_19 = arith.constant 0 : i32
      %sign3A_20 = arith.cmpi slt, %jit3A, %sign3A_19 : i32
      %sign3A_21 = arith.extui %sign3A_20 : i1 to i32
      %sign3A_22 = arith.subi %sign3A_18, %sign3A_21 : i32
      %ne3A = arith.cmpi ne, %sign3A_15, %sign3A_22 : i32
      %rem3A = arith.remsi %add3A_9, %jit3A : i32
      %ne3A_23 = arith.constant 0 : i32
      %ne3A_24 = arith.cmpi ne, %rem3A, %ne3A_23 : i32
      %and3A = arith.andi %ne3A, %ne3A_24 : i1
      %sub3A = arith.constant 1 : i32
      %sub3A_25 = arith.subi %div3A, %sub3A : i32
      %select_n3A = arith.select %and3A, %sub3A_25, %div3A : i32
      %jit3A_26 = arith.constant 8 : i32
      %eq3A = arith.constant 0 : i32
      %eq3A_27 = arith.cmpi eq, %jit3A_26, %eq3A : i32
      %jit3A_28 = arith.constant 1 : i32
      %select_n3A_29 = arith.select %eq3A_27, %jit3A_28, %jit3A_26 : i32
      %rem3A_30 = arith.remsi %add3A_9, %select_n3A_29 : i32
      %ne3A_31 = arith.constant 0 : i32
      %ne3A_32 = arith.cmpi ne, %rem3A_30, %ne3A_31 : i32
      %lt3A = arith.constant 0 : i32
      %lt3A_33 = arith.cmpi slt, %rem3A_30, %lt3A : i32
      %lt3A_34 = arith.constant 0 : i32
      %lt3A_35 = arith.cmpi slt, %select_n3A_29, %lt3A_34 : i32
      %ne3A_36 = arith.xori %lt3A_33, %lt3A_35 : i1
      %and3A_37 = arith.andi %ne3A_36, %ne3A_32 : i1
      %add3A_38 = arith.addi %rem3A_30, %select_n3A_29 : i32
      %select_n3A_39 = arith.select %and3A_37, %add3A_38, %rem3A_30 : i32
      %jit3A_40 = arith.constant 3 : i32
      %eq3A_41 = arith.constant 0 : i32
      %eq3A_42 = arith.cmpi eq, %jit3A_40, %eq3A_41 : i32
      %jit3A_43 = arith.constant 1 : i32
      %select_n3A_44 = arith.select %eq3A_42, %jit3A_43, %jit3A_40 : i32
      %rem3A_45 = arith.remsi %select_n3A, %select_n3A_44 : i32
      %ne3A_46 = arith.constant 0 : i32
      %ne3A_47 = arith.cmpi ne, %rem3A_45, %ne3A_46 : i32
      %lt3A_48 = arith.constant 0 : i32
      %lt3A_49 = arith.cmpi slt, %rem3A_45, %lt3A_48 : i32
      %lt3A_50 = arith.constant 0 : i32
      %lt3A_51 = arith.cmpi slt, %select_n3A_44, %lt3A_50 : i32
      %ne3A_52 = arith.xori %lt3A_49, %lt3A_51 : i1
      %and3A_53 = arith.andi %ne3A_52, %ne3A_47 : i1
      %add3A_54 = arith.addi %rem3A_45, %select_n3A_44 : i32
      %select_n3A_55 = arith.select %and3A_53, %add3A_54, %rem3A_45 : i32
      %eq3A_56 = arith.constant 0 : i32
      %eq3A_57 = arith.cmpi eq, %select_n3A_55, %eq3A_56 : i32
      %eq3A_58 = arith.constant 1 : i32
      %eq3A_59 = arith.cmpi eq, %select_n3A_55, %eq3A_58 : i32
      %jit3A_60 = arith.constant 3.125000e-02 : f32
      %jit3A_61 = arith.constant 0.064453125 : f32
      %select_n3A_62 = arith.select %eq3A_59, %jit3A_60, %jit3A_61 : f32
      %jit3A_63 = arith.constant 0.01953125 : f32
      %select_n3A_64 = arith.select %eq3A_57, %jit3A_63, %select_n3A_62 : f32
      %eq3A_65 = arith.constant 0 : i32
      %eq3A_66 = arith.cmpi eq, %select_n3A_55, %eq3A_65 : i32
      %eq3A_67 = arith.constant 1 : i32
      %eq3A_68 = arith.cmpi eq, %select_n3A_55, %eq3A_67 : i32
      %jit3A_69 = arith.constant 0.05859375 : f32
      %jit3A_70 = arith.constant 0.044921875 : f32
      %select_n3A_71 = arith.select %eq3A_68, %jit3A_69, %jit3A_70 : f32
      %jit3A_72 = arith.constant 0.025390625 : f32
      %select_n3A_73 = arith.select %eq3A_66, %jit3A_72, %select_n3A_71 : f32
      "tpu.region"() ({
        %run_scoped3A = tpu.sem_alloc : memref<!tpu.dma_semaphore, #tpu.memory_space<semaphore_mem>>
        %dma_start3A = arith.constant 0 : i32
        %dma_start3A_81 = arith.constant 0 : i32
        %dma_start3A_82 = tpu.memref_slice %arg2[%select_n3A, %dma_start3A, %select_n3A_39, %dma_start3A_81] : memref<48x85x8x512xf32, #tpu.memory_space<hbm>> -> memref<1x85x1x512xf32, #tpu.memory_space<hbm>>
        %dma_start3A_83 = tpu.memref_squeeze %dma_start3A_82 : memref<1x85x1x512xf32, #tpu.memory_space<hbm>> -> memref<85x512xf32, #tpu.memory_space<hbm>>
        %dma_start3A_84 = arith.constant 0 : i32
        %dma_start3A_85 = arith.constant 0 : i32
        %dma_start3A_86 = tpu.memref_slice %arg2[%select_n3A, %dma_start3A_84, %select_n3A_39, %dma_start3A_85] : memref<48x85x8x512xf32, #tpu.memory_space<hbm>> -> memref<1x85x1x512xf32, #tpu.memory_space<hbm>>
        %dma_start3A_87 = tpu.memref_squeeze %dma_start3A_86 : memref<1x85x1x512xf32, #tpu.memory_space<hbm>> -> memref<85x512xf32, #tpu.memory_space<hbm>>
        tpu.enqueue_dma source(%dma_start3A_87 : memref<85x512xf32, #tpu.memory_space<hbm>>) target(%arg4 : memref<85x512xf32, #tpu.memory_space<vmem>>) target_semaphore(%run_scoped3A : memref<!tpu.dma_semaphore, #tpu.memory_space<semaphore_mem>>)
        %dma_wait3A = arith.constant 0 : i32
        %dma_wait3A_88 = arith.constant 0 : i32
        %dma_wait3A_89 = tpu.memref_slice %arg2[%select_n3A, %dma_wait3A, %select_n3A_39, %dma_wait3A_88] : memref<48x85x8x512xf32, #tpu.memory_space<hbm>> -> memref<1x85x1x512xf32, #tpu.memory_space<hbm>>
        %dma_wait3A_90 = tpu.memref_squeeze %dma_wait3A_89 : memref<1x85x1x512xf32, #tpu.memory_space<hbm>> -> memref<85x512xf32, #tpu.memory_space<hbm>>
        %dma_wait3A_91 = arith.constant 0 : i32
        %dma_wait3A_92 = arith.constant 0 : i32
        %dma_wait3A_93 = tpu.memref_slice %arg2[%select_n3A, %dma_wait3A_91, %select_n3A_39, %dma_wait3A_92] : memref<48x85x8x512xf32, #tpu.memory_space<hbm>> -> memref<1x85x1x512xf32, #tpu.memory_space<hbm>>
        %dma_wait3A_94 = tpu.memref_squeeze %dma_wait3A_93 : memref<1x85x1x512xf32, #tpu.memory_space<hbm>> -> memref<85x512xf32, #tpu.memory_space<hbm>>
        tpu.wait_dma2 semaphore(%run_scoped3A : memref<!tpu.dma_semaphore, #tpu.memory_space<semaphore_mem>>) src(%dma_wait3A_94 : memref<85x512xf32, #tpu.memory_space<hbm>>) dst(%arg4 : memref<85x512xf32, #tpu.memory_space<vmem>>)
        tpu.yield
      }) : () -> ()
      %parallel_loop3A = arith.constant 0 : i32
      %parallel_loop3A_74 = arith.constant 32 : i32
      %parallel_loop3A_75 = arith.constant 1 : i32
      scf.for %parallel_loop3A_81 = %parallel_loop3A to %parallel_loop3A_74 step %parallel_loop3A_75  : i32 {
        %parallel_loop3A_82 = arith.constant 16 : i32
        %parallel_loop3A_83 = arith.muli %parallel_loop3A_81, %parallel_loop3A_82 : i32
        %parallel_loop3A_84 = vector.broadcast %parallel_loop3A_83 : i32 to vector<16xi32>
        %parallel_loop3A_85 = arith.addi %iota3A, %parallel_loop3A_84 : vector<16xi32>
        %parallel_loop3A_86 = arith.constant 85 : i32
        %parallel_loop3A_87 = vector.broadcast %parallel_loop3A_86 : i32 to vector<16xi32>
        %parallel_loop3A_88 = arith.muli %parallel_loop3A_85, %parallel_loop3A_87 : vector<16xi32>
        %parallel_loop3A_89 = arith.constant 4 : i32
        %parallel_loop3A_90 = arith.constant 85 : i32
        %parallel_loop3A_91 = arith.constant 1 : i32
        scf.for %parallel_loop3A_92 = %parallel_loop3A_89 to %parallel_loop3A_90 step %parallel_loop3A_91  : i32 {
          %parallel_loop3A_93 = arith.constant 16 : i32
          %parallel_loop3A_94 = arith.muli %parallel_loop3A_81, %parallel_loop3A_93 : i32
          %parallel_loop3A_95 = arith.index_cast %parallel_loop3A_92 : i32 to index
          %parallel_loop3A_96 = arith.index_cast %parallel_loop3A_94 : i32 to index
          %parallel_loop3A_97 = tpu.vector_load %arg4[%parallel_loop3A_95, %parallel_loop3A_96] {strides = array<i32>} : memref<85x512xf32, #tpu.memory_space<vmem>>, vector<16xf32>,
          %parallel_loop3A_98 = arith.constant 0.000000e+00 : f32
          %parallel_loop3A_99 = vector.broadcast %parallel_loop3A_98 : f32 to vector<16xf32>
          %parallel_loop3A_100 = arith.subf %parallel_loop3A_99, %parallel_loop3A_97 : vector<16xf32>
          %parallel_loop3A_101 = math.exp %parallel_loop3A_100 : vector<16xf32>
          %parallel_loop3A_102 = arith.constant 1.000000e+00 : f32
          %parallel_loop3A_103 = vector.broadcast %parallel_loop3A_102 : f32 to vector<16xf32>
          %parallel_loop3A_104 = arith.addf %parallel_loop3A_103, %parallel_loop3A_101 : vector<16xf32>
          %parallel_loop3A_105 = arith.constant 1.000000e+00 : f32
          %parallel_loop3A_106 = vector.broadcast %parallel_loop3A_105 : f32 to vector<16xf32>
          %parallel_loop3A_107 = arith.divf %parallel_loop3A_106, %parallel_loop3A_104 : vector<16xf32>
          %parallel_loop3A_108 = vector.broadcast %parallel_loop3A_92 : i32 to vector<16xi32>
          %parallel_loop3A_109 = arith.addi %parallel_loop3A_88, %parallel_loop3A_108 : vector<16xi32>
          tpu.vector_store_idx %arg5[%parallel_loop3A_109], %parallel_loop3A_107 : memref<43520xf32, #tpu.memory_space<vmem>>[vector<16xi32>], vector<16xf32>,
        } {sc.loop_unroll_factor = 8 : i64, sc.parallel_access}
      } {sc.loop_unroll_factor = 1 : i64, sc.parallel_access}
      %mul3A_76 = arith.constant 512 : i32
      %mul3A_77 = arith.muli %select_n3A_39, %mul3A_76 : i32
      %parallel_loop3A_78 = arith.constant 0 : i32
      %parallel_loop3A_79 = arith.constant 32 : i32
      %parallel_loop3A_80 = arith.constant 1 : i32
      scf.for %parallel_loop3A_81 = %parallel_loop3A_78 to %parallel_loop3A_79 step %parallel_loop3A_80  : i32 {
        %parallel_loop3A_82 = arith.constant 16 : i32
        %parallel_loop3A_83 = arith.muli %parallel_loop3A_81, %parallel_loop3A_82 : i32
        %parallel_loop3A_84 = vector.broadcast %parallel_loop3A_83 : i32 to vector<16xi32>
        %parallel_loop3A_85 = arith.addi %iota3A, %parallel_loop3A_84 : vector<16xi32>
        %parallel_loop3A_86 = vector.broadcast %mul3A_77 : i32 to vector<16xi32>
        %parallel_loop3A_87 = arith.addi %parallel_loop3A_86, %parallel_loop3A_85 : vector<16xi32>
        %parallel_loop3A_88 = arith.constant 64 : i32
        %parallel_loop3A_89 = arith.constant 0 : i32
        %parallel_loop3A_90 = arith.cmpi eq, %parallel_loop3A_88, %parallel_loop3A_89 : i32
        %parallel_loop3A_91 = arith.constant 1 : i32
        %parallel_loop3A_92 = arith.select %parallel_loop3A_90, %parallel_loop3A_91, %parallel_loop3A_88 : i32
        %parallel_loop3A_93 = vector.broadcast %parallel_loop3A_92 : i32 to vector<16xi32>
        %parallel_loop3A_94 = arith.remsi %parallel_loop3A_87, %parallel_loop3A_93 : vector<16xi32>
        %parallel_loop3A_95 = arith.constant 0 : i32
        %parallel_loop3A_96 = vector.broadcast %parallel_loop3A_95 : i32 to vector<16xi32>
        %parallel_loop3A_97 = arith.cmpi ne, %parallel_loop3A_94, %parallel_loop3A_96 : vector<16xi32>
        %parallel_loop3A_98 = arith.constant 0 : i32
        %parallel_loop3A_99 = vector.broadcast %parallel_loop3A_98 : i32 to vector<16xi32>
        %parallel_loop3A_100 = arith.cmpi slt, %parallel_loop3A_94, %parallel_loop3A_99 : vector<16xi32>
        %parallel_loop3A_101 = arith.constant 0 : i32
        %parallel_loop3A_102 = arith.cmpi slt, %parallel_loop3A_92, %parallel_loop3A_101 : i32
        %parallel_loop3A_103 = vector.broadcast %parallel_loop3A_102 : i1 to vector<16xi1>
        %parallel_loop3A_104 = vector.broadcast %parallel_loop3A_103 : vector<16xi1> to vector<16xi1>
        %parallel_loop3A_105 = arith.xori %parallel_loop3A_100, %parallel_loop3A_104 : vector<16xi1>
        %parallel_loop3A_106 = arith.andi %parallel_loop3A_105, %parallel_loop3A_97 : vector<16xi1>
        %parallel_loop3A_107 = vector.broadcast %parallel_loop3A_92 : i32 to vector<16xi32>
        %parallel_loop3A_108 = arith.addi %parallel_loop3A_94, %parallel_loop3A_107 : vector<16xi32>
        %parallel_loop3A_109 = arith.select %parallel_loop3A_106, %parallel_loop3A_108, %parallel_loop3A_94 : vector<16xi1>, vector<16xi32>
        %parallel_loop3A_110 = arith.sitofp %parallel_loop3A_109 : vector<16xi32> to vector<16xf32>
        %parallel_loop3A_111 = arith.constant 64 : i32
        %parallel_loop3A_112 = vector.broadcast %parallel_loop3A_111 : i32 to vector<16xi32>
        %parallel_loop3A_113 = arith.divsi %parallel_loop3A_87, %parallel_loop3A_112 : vector<16xi32>
        %parallel_loop3A_114 = arith.constant 0 : i32
        %parallel_loop3A_115 = vector.broadcast %parallel_loop3A_114 : i32 to vector<16xi32>
        %parallel_loop3A_116 = arith.cmpi sgt, %parallel_loop3A_87, %parallel_loop3A_115 : vector<16xi32>
        %parallel_loop3A_117 = arith.extui %parallel_loop3A_116 : vector<16xi1> to vector<16xi32>
        %parallel_loop3A_118 = arith.constant 0 : i32
        %parallel_loop3A_119 = vector.broadcast %parallel_loop3A_118 : i32 to vector<16xi32>
        %parallel_loop3A_120 = arith.cmpi slt, %parallel_loop3A_87, %parallel_loop3A_119 : vector<16xi32>
        %parallel_loop3A_121 = arith.extui %parallel_loop3A_120 : vector<16xi1> to vector<16xi32>
        %parallel_loop3A_122 = arith.subi %parallel_loop3A_117, %parallel_loop3A_121 : vector<16xi32>
        %parallel_loop3A_123 = arith.constant 0 : i32
        %parallel_loop3A_124 = arith.cmpi sgt, %parallel_loop3A_111, %parallel_loop3A_123 : i32
        %parallel_loop3A_125 = arith.extui %parallel_loop3A_124 : i1 to i32
        %parallel_loop3A_126 = arith.constant 0 : i32
        %parallel_loop3A_127 = arith.cmpi slt, %parallel_loop3A_111, %parallel_loop3A_126 : i32
        %parallel_loop3A_128 = arith.extui %parallel_loop3A_127 : i1 to i32
        %parallel_loop3A_129 = arith.subi %parallel_loop3A_125, %parallel_loop3A_128 : i32
        %parallel_loop3A_130 = vector.broadcast %parallel_loop3A_129 : i32 to vector<16xi32>
        %parallel_loop3A_131 = arith.cmpi ne, %parallel_loop3A_122, %parallel_loop3A_130 : vector<16xi32>
        %parallel_loop3A_132 = vector.broadcast %parallel_loop3A_111 : i32 to vector<16xi32>
        %parallel_loop3A_133 = arith.remsi %parallel_loop3A_87, %parallel_loop3A_132 : vector<16xi32>
        %parallel_loop3A_134 = arith.constant 0 : i32
        %parallel_loop3A_135 = vector.broadcast %parallel_loop3A_134 : i32 to vector<16xi32>
        %parallel_loop3A_136 = arith.cmpi ne, %parallel_loop3A_133, %parallel_loop3A_135 : vector<16xi32>
        %parallel_loop3A_137 = arith.andi %parallel_loop3A_131, %parallel_loop3A_136 : vector<16xi1>
        %parallel_loop3A_138 = arith.constant 1 : i32
        %parallel_loop3A_139 = vector.broadcast %parallel_loop3A_138 : i32 to vector<16xi32>
        %parallel_loop3A_140 = arith.subi %parallel_loop3A_113, %parallel_loop3A_139 : vector<16xi32>
        %parallel_loop3A_141 = arith.select %parallel_loop3A_137, %parallel_loop3A_140, %parallel_loop3A_113 : vector<16xi1>, vector<16xi32>
        %parallel_loop3A_142 = arith.sitofp %parallel_loop3A_141 : vector<16xi32> to vector<16xf32>
        %parallel_loop3A_143 = arith.constant 16 : i32
        %parallel_loop3A_144 = arith.muli %parallel_loop3A_81, %parallel_loop3A_143 : i32
        %parallel_loop3A_145 = arith.constant 0 : i32
        %parallel_loop3A_146 = arith.index_cast %parallel_loop3A_145 : i32 to index
        %parallel_loop3A_147 = arith.index_cast %parallel_loop3A_144 : i32 to index
        %parallel_loop3A_148 = tpu.vector_load %arg4[%parallel_loop3A_146, %parallel_loop3A_147] {strides = array<i32>} : memref<85x512xf32, #tpu.memory_space<vmem>>, vector<16xf32>,
        %parallel_loop3A_149 = arith.constant 16 : i32
        %parallel_loop3A_150 = arith.muli %parallel_loop3A_81, %parallel_loop3A_149 : i32
        %parallel_loop3A_151 = arith.constant 1 : i32
        %parallel_loop3A_152 = arith.index_cast %parallel_loop3A_151 : i32 to index
        %parallel_loop3A_153 = arith.index_cast %parallel_loop3A_150 : i32 to index
        %parallel_loop3A_154 = tpu.vector_load %arg4[%parallel_loop3A_152, %parallel_loop3A_153] {strides = array<i32>} : memref<85x512xf32, #tpu.memory_space<vmem>>, vector<16xf32>,
        %parallel_loop3A_155 = arith.constant 0.000000e+00 : f32
        %parallel_loop3A_156 = vector.broadcast %parallel_loop3A_155 : f32 to vector<16xf32>
        %parallel_loop3A_157 = arith.subf %parallel_loop3A_156, %parallel_loop3A_148 : vector<16xf32>
        %parallel_loop3A_158 = math.exp %parallel_loop3A_157 : vector<16xf32>
        %parallel_loop3A_159 = arith.constant 1.000000e+00 : f32
        %parallel_loop3A_160 = vector.broadcast %parallel_loop3A_159 : f32 to vector<16xf32>
        %parallel_loop3A_161 = arith.addf %parallel_loop3A_160, %parallel_loop3A_158 : vector<16xf32>
        %parallel_loop3A_162 = arith.constant 1.000000e+00 : f32
        %parallel_loop3A_163 = vector.broadcast %parallel_loop3A_162 : f32 to vector<16xf32>
        %parallel_loop3A_164 = arith.divf %parallel_loop3A_163, %parallel_loop3A_161 : vector<16xf32>
        %parallel_loop3A_165 = arith.constant 0.000000e+00 : f32
        %parallel_loop3A_166 = vector.broadcast %parallel_loop3A_165 : f32 to vector<16xf32>
        %parallel_loop3A_167 = arith.subf %parallel_loop3A_166, %parallel_loop3A_154 : vector<16xf32>
        %parallel_loop3A_168 = math.exp %parallel_loop3A_167 : vector<16xf32>
        %parallel_loop3A_169 = arith.constant 1.000000e+00 : f32
        %parallel_loop3A_170 = vector.broadcast %parallel_loop3A_169 : f32 to vector<16xf32>
        %parallel_loop3A_171 = arith.addf %parallel_loop3A_170, %parallel_loop3A_168 : vector<16xf32>
        %parallel_loop3A_172 = arith.constant 1.000000e+00 : f32
        %parallel_loop3A_173 = vector.broadcast %parallel_loop3A_172 : f32 to vector<16xf32>
        %parallel_loop3A_174 = arith.divf %parallel_loop3A_173, %parallel_loop3A_171 : vector<16xf32>
        %parallel_loop3A_175 = arith.constant 85 : i32
        %parallel_loop3A_176 = vector.broadcast %parallel_loop3A_175 : i32 to vector<16xi32>
        %parallel_loop3A_177 = arith.muli %parallel_loop3A_85, %parallel_loop3A_176 : vector<16xi32>
        %parallel_loop3A_178 = arith.addf %parallel_loop3A_164, %parallel_loop3A_110 : vector<16xf32>
        %parallel_loop3A_179 = arith.constant 1.562500e-02 : f32
        %parallel_loop3A_180 = vector.broadcast %parallel_loop3A_179 : f32 to vector<16xf32>
        %parallel_loop3A_181 = arith.mulf %parallel_loop3A_178, %parallel_loop3A_180 : vector<16xf32>
        tpu.vector_store_idx %arg5[%parallel_loop3A_177], %parallel_loop3A_181 : memref<43520xf32, #tpu.memory_space<vmem>>[vector<16xi32>], vector<16xf32>,
        %parallel_loop3A_182 = arith.constant 1 : i32
        %parallel_loop3A_183 = vector.broadcast %parallel_loop3A_182 : i32 to vector<16xi32>
        %parallel_loop3A_184 = arith.addi %parallel_loop3A_177, %parallel_loop3A_183 : vector<16xi32>
        %parallel_loop3A_185 = arith.addf %parallel_loop3A_174, %parallel_loop3A_142 : vector<16xf32>
        %parallel_loop3A_186 = arith.constant 1.562500e-02 : f32
        %parallel_loop3A_187 = vector.broadcast %parallel_loop3A_186 : f32 to vector<16xf32>
        %parallel_loop3A_188 = arith.mulf %parallel_loop3A_185, %parallel_loop3A_187 : vector<16xf32>
        tpu.vector_store_idx %arg5[%parallel_loop3A_184], %parallel_loop3A_188 : memref<43520xf32, #tpu.memory_space<vmem>>[vector<16xi32>], vector<16xf32>,
        %parallel_loop3A_189 = arith.constant 16 : i32
        %parallel_loop3A_190 = arith.muli %parallel_loop3A_81, %parallel_loop3A_189 : i32
        %parallel_loop3A_191 = arith.constant 2 : i32
        %parallel_loop3A_192 = arith.index_cast %parallel_loop3A_191 : i32 to index
        %parallel_loop3A_193 = arith.index_cast %parallel_loop3A_190 : i32 to index
        %parallel_loop3A_194 = tpu.vector_load %arg4[%parallel_loop3A_192, %parallel_loop3A_193] {strides = array<i32>} : memref<85x512xf32, #tpu.memory_space<vmem>>, vector<16xf32>,
        %parallel_loop3A_195 = arith.constant 16 : i32
        %parallel_loop3A_196 = arith.muli %parallel_loop3A_81, %parallel_loop3A_195 : i32
        %parallel_loop3A_197 = arith.constant 3 : i32
        %parallel_loop3A_198 = arith.index_cast %parallel_loop3A_197 : i32 to index
        %parallel_loop3A_199 = arith.index_cast %parallel_loop3A_196 : i32 to index
        %parallel_loop3A_200 = tpu.vector_load %arg4[%parallel_loop3A_198, %parallel_loop3A_199] {strides = array<i32>} : memref<85x512xf32, #tpu.memory_space<vmem>>, vector<16xf32>,
        %parallel_loop3A_201 = arith.constant 2 : i32
        %parallel_loop3A_202 = vector.broadcast %parallel_loop3A_201 : i32 to vector<16xi32>
        %parallel_loop3A_203 = arith.addi %parallel_loop3A_177, %parallel_loop3A_202 : vector<16xi32>
        %parallel_loop3A_204 = math.exp %parallel_loop3A_194 : vector<16xf32>
        %parallel_loop3A_205 = vector.broadcast %select_n3A_64 : f32 to vector<16xf32>
        %parallel_loop3A_206 = arith.mulf %parallel_loop3A_204, %parallel_loop3A_205 : vector<16xf32>
        tpu.vector_store_idx %arg5[%parallel_loop3A_203], %parallel_loop3A_206 : memref<43520xf32, #tpu.memory_space<vmem>>[vector<16xi32>], vector<16xf32>,
        %parallel_loop3A_207 = arith.constant 3 : i32
        %parallel_loop3A_208 = vector.broadcast %parallel_loop3A_207 : i32 to vector<16xi32>
        %parallel_loop3A_209 = arith.addi %parallel_loop3A_177, %parallel_loop3A_208 : vector<16xi32>
        %parallel_loop3A_210 = math.exp %parallel_loop3A_200 : vector<16xf32>
        %parallel_loop3A_211 = vector.broadcast %select_n3A_73 : f32 to vector<16xf32>
        %parallel_loop3A_212 = arith.mulf %parallel_loop3A_210, %parallel_loop3A_211 : vector<16xf32>
        tpu.vector_store_idx %arg5[%parallel_loop3A_209], %parallel_loop3A_212 : memref<43520xf32, #tpu.memory_space<vmem>>[vector<16xi32>], vector<16xf32>,
      } {sc.loop_unroll_factor = 4 : i64, sc.parallel_access}
      "tpu.region"() ({
        %run_scoped3A = tpu.sem_alloc : memref<!tpu.dma_semaphore, #tpu.memory_space<semaphore_mem>>
        %dma_start3A = arith.constant 0 : i32
        %dma_start3A_81 = tpu.memref_slice %arg3[%select_n3A, %select_n3A_39, %dma_start3A] : memref<48x8x43520xf32, #tpu.memory_space<hbm>> -> memref<1x1x43520xf32, #tpu.memory_space<hbm>>
        %dma_start3A_82 = tpu.memref_squeeze %dma_start3A_81 : memref<1x1x43520xf32, #tpu.memory_space<hbm>> -> memref<43520xf32, #tpu.memory_space<hbm>>
        %dma_start3A_83 = arith.constant 0 : i32
        %dma_start3A_84 = tpu.memref_slice %arg3[%select_n3A, %select_n3A_39, %dma_start3A_83] : memref<48x8x43520xf32, #tpu.memory_space<hbm>> -> memref<1x1x43520xf32, #tpu.memory_space<hbm>>
        %dma_start3A_85 = tpu.memref_squeeze %dma_start3A_84 : memref<1x1x43520xf32, #tpu.memory_space<hbm>> -> memref<43520xf32, #tpu.memory_space<hbm>>
        tpu.enqueue_dma source(%arg5 : memref<43520xf32, #tpu.memory_space<vmem>>) target(%dma_start3A_85 : memref<43520xf32, #tpu.memory_space<hbm>>) target_semaphore(%run_scoped3A : memref<!tpu.dma_semaphore, #tpu.memory_space<semaphore_mem>>)
        %dma_wait3A = arith.constant 0 : i32
        %dma_wait3A_86 = tpu.memref_slice %arg3[%select_n3A, %select_n3A_39, %dma_wait3A] : memref<48x8x43520xf32, #tpu.memory_space<hbm>> -> memref<1x1x43520xf32, #tpu.memory_space<hbm>>
        %dma_wait3A_87 = tpu.memref_squeeze %dma_wait3A_86 : memref<1x1x43520xf32, #tpu.memory_space<hbm>> -> memref<43520xf32, #tpu.memory_space<hbm>>
        %dma_wait3A_88 = arith.constant 0 : i32
        %dma_wait3A_89 = tpu.memref_slice %arg3[%select_n3A, %select_n3A_39, %dma_wait3A_88] : memref<48x8x43520xf32, #tpu.memory_space<hbm>> -> memref<1x1x43520xf32, #tpu.memory_space<hbm>>
        %dma_wait3A_90 = tpu.memref_squeeze %dma_wait3A_89 : memref<1x1x43520xf32, #tpu.memory_space<hbm>> -> memref<43520xf32, #tpu.memory_space<hbm>>
        tpu.wait_dma2 semaphore(%run_scoped3A : memref<!tpu.dma_semaphore, #tpu.memory_space<semaphore_mem>>) src(%arg5 : memref<43520xf32, #tpu.memory_space<vmem>>) dst(%dma_wait3A_90 : memref<43520xf32, #tpu.memory_space<hbm>>)
        tpu.yield
      }) : () -> ()
    }
    %scan3A_5 = arith.constant 12 : i32
    return
  }
}

</mosaic_0001>

<sc_bundles>
// kernel: kernel.3.cloned.1.call-start
scs
__scs_entry_jumppad:
0x0: {  	(pc) =	sbr.rel $0x88, $3  }
0x1: {  	(tag) =	ssettag $0x0;
	lr =	simm.s32 $0x1  }
0x2: {  	[smem:$0x3FA0] =	sst lr;
	_ =	strace $0xD0000000  }
0x3: {  	_ = 	snop  }
0x4: {  	_ = 	snop  }
0x5: {  	_ = 	snop  }
0x6: {  	_ = 	snop  }
0x7: {  	_ = 	snop  }
__scs_overlays_trampoline_lowered:
0x8: {  	[smem:$0x3FAF] =	sst s0  }
0x9: {  	[smem:$0x3FB0] =	sst s1  }
0xa: {  	[smem:$0x3FB1] =	sst s2  }
0xb: {  	[smem:$0x3FB2] =	sst s3  }
0xc: {  	[smem:$0x3FB3] =	sst s4  }
0xd: {  	[smem:$0x3FB4] =	sst s5  }
0xe: {  	[smem:$0x3FB5] =	sst s6  }
0xf: {  	[smem:$0x3FB6] =	sst s7  }
0x10: {  	[smem:$0x3FB7] =	sst s8  }
0x11: {  	[smem:$0x3FB8] =	sst s9;
	s0 =	simm.s32 @!p0 $0x0  }
0x12: {  	s1 =	sld [smem:$0x3F9E];
	s0 =	simm.s32 @p0 $0x1  }
0x13: {  	[smem:$0x3FB9] =	sst s0;
	s0 =	simm.s32 @!p1 $0x0  }
0x14: {  	s2 =	sld [smem:$0x3F9D];
	s0 =	simm.s32 @p1 $0x1  }
0x15: {  	[smem:$0x3FBA] =	sst s0;
	s0 =	simm.s32 @!p2 $0x0  }
0x16: {  	s3 =	sld [smem:$0x3FDB];
	s0 =	simm.s32 @p2 $0x1  }
0x17: {  	s4 =	simm.s32 $0x1BF5;
	[smem:$0x3FBC] =	sst s0  }
0x18: {  	s0 =	sld [smem:$0x3F9F];
	_ =	swait.ge [sflag:s4], $0x0  }
0x19: {  	s7 =	sld [smem:$0x3FA0]  }
0x1a: {  	s8 =	sadd.s32 $0xFFFFE003, lr  }
0x1b: {  	s9 =	sadd.s32 $0xFFFFFEF7, lr;
	s5 =	simm.s32 $0xFFFFFFFF;
	p2 =	slt.u32 s8, $0xFFFFF086  }
0x1c: {  	p1 =	slt.u32 s9, $0xF7A;
	s5 =	simm.s32 @!p2 $0x0  }
0x1d: {  	s5 =	simm.s32 @p1 $0x1;
	p0 =	seq.s32 s7, s2  }
0x1e: {  	s7 =	smul.u32 @!p0 $0xF7A, s2;
	p2 =	seq.s32 @!p0 s5, $0x0  }
0x1f: {  	s9 =	smul.u32 $0xF7A, s1;
	s8 =	simm.s32 @!p0 $0x1BF5;
	p2 =	por !p2, p0  }
0x20: {  	[sflag:s8] =	ssyncset.s32 @!p0 $0xFFFFF086;
	s6 =	sadd.s32 @!p0 s3, s7;
	s7 =	simm.s32 @!p0 $0x108  }
0x21: {  	s3 =	sadd.s32 s3, s9;
	s6 =	sadd.s32 @!p0 $0x88, s6;
	s7 =	simm.s32 @p2 $0x1082  }
0x22: {  	[simem:s7], [sflag:s8] =	dma.local @!p0 [hbm:s6], $0xF7A  }
0x23: {  	s9 =	sor.u32 $0xD0000000, s2;
	s6 =	simm.s32 $0x108;
	_ =	swait.ge @!p0 [sflag:s8], $0x0  }
0x24: {  	s3 =	sadd.s32 $0x88, s3;
	s6 =	simm.s32 @!p1 $0x1082;
	[sflag:s4] =	ssyncset.s32 $0xFFFFF086  }
0x25: {  	[simem:s6], [sflag:s4] =	dma.local [hbm:s3], $0xF7A  }
0x26: {  	[smem:$0x3FA0] =	sst s1;
	(tag) =	ssettag s2;
	_ =	strace s9  }
0x27: {  	s1 =	sld [smem:$0x3FB0]  }
0x28: {  	s2 =	sld [smem:$0x3FB1]  }
0x29: {  	s4 =	sld [smem:$0x3FB3]  }
0x2a: {  	p0 =	seq.s32 s5, $0x0;
	s5 =	sld [smem:$0x3FB4]  }
0x2b: {  	s6 =	sld [smem:$0x3FB5]  }
0x2c: {  	s7 =	sld [smem:$0x3FB6]  }
0x2d: {  	s3 =	simm.s32 $0x108;
	s8 =	sld [smem:$0x3FB7]  }
0x2e: {  	s3 =	simm.s32 @!p0 $0x1082;
	s9 =	sld [smem:$0x3FB8]  }
0x2f: {  	lr =	sadd.s32 s0, s3;
	s0 =	sld [smem:$0x3FAF]  }
0x30: {  	s3 =	sld [smem:$0x3FB2]  }
0x31: {  	[smem:$0x3FBB] =	sst s10  }
0x32: {  	s10 =	sld [smem:$0x3FB9];
	_ =	sdelay $0x3  }
0x33: {  	p0 =	seq.s32 s10, $0x1;
	s10 =	sld [smem:$0x3FBB];
	_ =	sdelay $0x3  }
0x34: {  	[smem:$0x3FBB] =	sst s10  }
0x35: {  	s10 =	sld [smem:$0x3FBA];
	_ =	sdelay $0x3  }
0x36: {  	p1 =	seq.s32 s10, $0x1;
	s10 =	sld [smem:$0x3FBB];
	_ =	sdelay $0x3  }
0x37: {  	[smem:$0x3FBB] =	sst s10  }
0x38: {  	s10 =	sld [smem:$0x3FBC]  }
0x39: {  	_ = 	snop;
	(pc) =	sbr.ind lr, $3  }
0x3a: {  	_ = 	snop  }
0x3b: {  	_ = 	snop  }
0x3c: {  	p2 =	seq.s32 s10, $0x1;
	s10 =	sld [smem:$0x3FBB]  }
0x3d: {  	_ =	shalt  }
0x3e: {  	_ =	shalt  }
0x3f: {  	_ =	shalt  }
0x40: {  	_ =	shalt  }
0x41: {  	_ =	shalt  }
0x42: {  	_ =	shalt  }
0x43: {  	_ =	shalt  }
0x44: {  	_ =	shalt  }
0x45: {  	_ =	shalt  }
0x46: {  	_ =	shalt  }
0x47: {  	_ =	shalt  }
0x48: {  	_ =	shalt  }
0x49: {  	_ =	shalt  }
0x4a: {  	_ =	shalt  }
0x4b: {  	_ =	shalt  }
0x4c: {  	_ =	shalt  }
0x4d: {  	_ =	shalt  }
0x4e: {  	_ =	shalt  }
0x4f: {  	_ =	shalt  }
0x50: {  	_ =	shalt  }
0x51: {  	_ =	shalt  }
0x52: {  	_ =	shalt  }
0x53: {  	_ =	shalt  }
0x54: {  	_ =	shalt  }
0x55: {  	_ =	shalt  }
0x56: {  	_ =	shalt  }
0x57: {  	_ =	shalt  }
0x58: {  	_ =	shalt  }
0x59: {  	_ =	shalt  }
0x5a: {  	_ =	shalt  }
0x5b: {  	_ =	shalt  }
0x5c: {  	_ =	shalt  }
0x5d: {  	_ =	shalt  }
0x5e: {  	_ =	shalt  }
0x5f: {  	_ =	shalt  }
0x60: {  	_ =	shalt  }
0x61: {  	_ =	shalt  }
0x62: {  	_ =	shalt  }
0x63: {  	_ =	shalt  }
0x64: {  	_ =	shalt  }
0x65: {  	_ =	shalt  }
0x66: {  	_ =	shalt  }
0x67: {  	_ =	shalt  }
0x68: {  	_ =	shalt  }
0x69: {  	_ =	shalt  }
0x6a: {  	_ =	shalt  }
0x6b: {  	_ =	shalt  }
0x6c: {  	_ =	shalt  }
0x6d: {  	_ =	shalt  }
0x6e: {  	_ =	shalt  }
0x6f: {  	_ =	shalt  }
0x70: {  	_ =	shalt  }
0x71: {  	_ =	shalt  }
0x72: {  	_ =	shalt  }
0x73: {  	_ =	shalt  }
0x74: {  	_ =	shalt  }
0x75: {  	_ =	shalt  }
0x76: {  	_ =	shalt  }
0x77: {  	_ =	shalt  }
0x78: {  	_ =	shalt  }
0x79: {  	_ =	shalt  }
0x7a: {  	_ =	shalt  }
0x7b: {  	_ =	shalt  }
0x7c: {  	_ =	shalt  }
0x7d: {  	_ =	shalt  }
0x7e: {  	_ =	shalt  }
0x7f: {  	_ =	shalt  }
0x80: {  	_ =	shalt  }
0x81: {  	_ =	shalt  }
0x82: {  	_ =	shalt  }
0x83: {  	_ =	shalt  }
0x84: {  	_ =	shalt  }
0x85: {  	_ =	shalt  }
0x86: {  	_ =	shalt  }
0x87: {  	_ =	shalt  }
.Lfunc_end0:
.L_simem_size_0:
called_computation.2_lowered:
.L_overlay_start_0:
0x88: {  	s2 =	sld [smem:$0x3FD9]  }
0x89: {  	s3 =	sld [smem:$0x3FFE];
	_ =	sdelay $0x1  }
0x8a: {  	s1 =	srdreg.scid  }
0x8b: {  	s0 =	sand.u32 $0x1, s1  }
0x8c: {  	s17 =	sshll.u32 s0, $0xA;
	s2 =	sadd.s32 s3, s2  }
0x8d: {  	s2 =	sadd.s32 s2, s17  }
0x8e: {  	[smem:$0x3FC7] =	sst s2  }
0x8f: {  	_ = 	snop  }
0x90: {  	s2 =	sld [smem:$0x3FD0];
	(tm) =	ssettm $0x1  }
0x91: {  	s18 =	sld [smem:$0x3FFB];
	_ =	sdelay $0x3  }
0x92: {  	_ =	strace s18  }
0x93: {  	s3 =	sld [smem:$0x3FFC];
	_ =	sdelay $0x3  }
0x94: {  	_ =	strace s3  }
0x95: {  	s3 =	sld [smem:$0x3FFD];
	_ =	sdelay $0x3  }
0x96: {  	_ =	strace s3  }
0x97: {  	_ =	strace $0x8FFFFFFF  }
0x98: {  	s19 =	sld [smem:$0x3FDB];
	_ =	sdelay $0x1  }
0x99: {  	s4 =	simm.s32 $_scs_section_size  }
0x9a: {  	s5 =	simm.s32 $_size__tile_overlayer_lowered;
	s6 =	simm.s32 $_tile_overlayer_lowered  }
0x9b: {  	s22 =	simm.s32 $0x1BFF;
	s21 =	sshll.u32 s6, $0x1;
	s3 =	sadd.s32 s4, s19  }
0x9c: {  	s7 =	simm.s32 $0x0;
	s20 =	sshll.u32 s5, $0x1;
	s5 =	sadd.s32 s21, s3  }
0x9d: {  	[timem:s7], [sflag:s22] =	dma.local [hbm:s5], s20  }
0x9e: {  	_ =	swait.ge [sflag:s22], s20  }
0x9f: {  	s4 =	ssub.s32 $0x0, s20;
	[sflag:s22] =	ssyncset.done $0x0  }
0xa0: {  	[sflag:s22] =	ssyncadd.s32 s4;
	_ =	sdelay $0x1  }
0xa1: {  	s23 =	simm.s32 $0x1B8B  }
0xa2: {  	_ =	swait.ge [sflag:s23], $0x1  }
0xa3: {  	[sflag:s23] =	ssyncset.done $0x0  }
0xa4: {  	s25 =	simm.s32 $0x1B8E;
	s24 =	sld [smem:$0x3FFE];
	[sflag:s23] =	ssyncadd.s32 $0xFFFFFFFF  }
0xa5: {  	s26 =	simm.s32 $execute0_lowered;
	[smem:$0x3FD2] =	sst s25  }
0xa6: {  	s5 =	sshll.u32 s26, $0x1;
	_ =	strace $0x80000049;
	[dreg:$0x1] =	wrdreg $0xFFFFFFFF  }
0xa7: {  	s28 =	simm.s32 $_size_execute0_lowered;
	s3 =	sadd.s32 s3, s5;
	[dreg:$0x0] =	wrdreg $0x0  }
0xa8: {  	s5 =	sshll.u32 s28, $0x1;
	[dreg:$0x2] =	wrdreg s3  }
0xa9: {  	[dreg:$0x3] =	wrdreg s5  }
0xaa: {  	[dreg:$0x4] =	wrdreg $0xC0  }
0xab: {  	_ =	task [dreg:s7], $0x5FFFF  }
0xac: {  	[dreg:$0x1] =	wrdreg $0xFFFFFFFF  }
0xad: {  	[dreg:$0x0] =	wrdreg $0x60  }
0xae: {  	[dreg:$0x2] =	wrdreg s2  }
0xaf: {  	[dreg:$0x3] =	wrdreg s24  }
0xb0: {  	[dreg:$0x4] =	wrdreg $0x9  }
0xb1: {  	_ =	task.clear_ibuf [dreg:s7], $0x5FFFF;
	_ =	strace $0x90000049  }
0xb2: {  	s29 =	simm.s32 $0x9;
	_ =	strace $0x8000004B  }
0xb3: {  	_ =	swait.ge [sflag:s29], $0x1  }
0xb4: {  	[sflag:s29] =	ssyncadd.s32 $0xFFFFFFFF  }
0xb5: {  	_ =	strace $0x9000004B  }
0xb6: {  	_ =	sfence  }
0xb7: {  	s30 =	sld [smem:$0x0];
	_ =	sdelay $0x2  }
0xb8: {  	s31 =	sshll.u32 s1, $0xD;
	s1 =	sshrl.u32 s1, $0x2  }
0xb9: {  	s3 =	sand.u32 $0x4000, s31;
	s1 =	sadd.s32 s1, s30  }
0xba: {  	s0 =	sor.u32 s3, s0;
	s1 =	sshll.u32 s1, $0x11  }
0xbb: {  	s0 =	sor.u32 s1, s0  }
0xbc: {  	s0 =	sadd.s32 $0x8F2B, s0  }
0xbd: {  	[sflag:s0] =	ssyncadd.remote.s32 $0x1  }
0xbe: {  	_ =	sfence.sel $0xFFFF  }
0xbf: {  	[dreg:$0x0] =	wrdreg $0xFFFFFFFF;
	(pc) =	sbr.abs _section_cstart, $3  }
0xc0: {  	[dreg:$0x1] =	wrdreg $0xFFFFFFFF  }
0xc1: {  	_ =	task.clear_ibuf [dreg:s7], $0x2FFFF;
	_ =	strace $0x9FFFFFFF  }
0xc2: {  	(tm) =	ssettm $0x7FFFFFFF  }
0xc3: {  	_ =	shalt  }
tec
execute0_lowered:
.L_overlay_start_1:
0x0: {  	(tag) =	ssettag $0x1  }
0x1: {  	v0 =	vimm.f32 $1.500000000e+01;
	vm0 =	vcmask $0x300  }
0x2: {  	v0 =	vsel vm0, $0x0, v0;
	vm0 =	vcmask $0x704  }
0x3: {  	v0 =	vsel vm0, $0x3F800000, v0;
	vm0 =	vcmask $0xB08  }
0x4: {  	v0 =	vsel vm0, $0x40000000, v0;
	vm0 =	vcmask $0xF0C  }
0x5: {  	v0 =	vsel vm0, $0x40400000, v0;
	vm0 =	vcmask $0x1310  }
0x6: {  	v0 =	vsel vm0, $0x40800000, v0;
	vm0 =	vcmask $0x1714  }
0x7: {  	v0 =	vsel vm0, $0x40A00000, v0;
	vm0 =	vcmask $0x1B18  }
0x8: {  	s0 =	rddreg [dreg:$0x0];
	v0 =	vsel vm0, $0x40C00000, v0;
	vm0 =	vcmask $0x1F1C  }
0x9: {  	s4 =	rddreg [dreg:$0x1];
	v0 =	vsel vm0, $0x40E00000, v0;
	vm0 =	vcmask $0x2320  }
0xa: {  	s2 =	srdreg.scid;
	s1 =	stileid.u32;
	s9 =	simm.s32 $0xA000;
	v0 =	vsel vm0, $0x41000000, v0;
	vm0 =	vcmask $0x2724  }
0xb: {  	s10 =	simm.s32 $0xA400;
	s11 =	simm.s32 $0xA800;
	s12 =	simm.s32 $0xAC00;
	v1 =	vsel vm0, $0x41100000, v0;
	vm0 =	vcmask $0x2B28  }
0xc: {  	s13 =	simm.s32 $0x1;
	s14 =	simm.s32 $0xB000;
	s5 =	sand.u32 $0x1, s2;
	v0 =	vlaneseq.u32;
	v2 =	vsel vm0, $0x41200000, v1;
	vm0 =	vcmask $0x2F2C  }
0xd: {  	s15 =	simm.s32 $0x400;
	s2 =	simm.s32 $0x0;
	s6 =	ssub.s32 $0x2, s5;
	v1 =	vmul.u32 $0x55, v0;
	v2 =	vsel vm0, $0x41300000, v2;
	vm0 =	vcmask $0x3330  }
0xe: {  	vm1 =	vcmask $0x3B38;
	s8 =	sshll.u32 s1, $0x1;
	s4 =	sadd.s32 $0xC00, s4;
	s7 =	sshrl.u32 s6, $0x1;
	v3 =	vsel vm0, $0x41400000, v2  }
0xf: {  	[smem:$0x7FF] =	sst s2;
	s5 =	sor.u32 s5, s8;
	s6 =	ssub.s32 s6, s7;
	vm0 =	vcmask $0x3734;
	v2 =	vadd.s32 $0x54, v1;
	v5 =	vadd.s32 $0x1, v1  }
0x10: {  	s8 =	simm.s32 $0x1000;
	_ =	strace $0x8000004A;
	s31 =	smax.u32 s6, $0x1;
	v6 =	vadd.s32 $0x2, v1;
	v7 =	vadd.s32 $0x3, v1;
	v4 =	vsel vm0, $0x41500000, v3  }
0x11: {  	s5 =	smul.u32 $0xC, s5;
	s7 =	simm.s32 $0x80;
	[dreg:$0x4] =	wrdreg s31;
	vm0 =	vcmask $0x3F04;
	v3 =	vimm.s32 $0x0;
	v4 =	vsel vm1, $0x41600000, v4  }
.LBB2_1:
0x12: {  	[dreg:$0x3] =	wrdreg s2;
	s16 =	simm.s32 $0x0  }
.LBB2_2:
0x13: {  	s17 =	sadd.s32 s5, s16  }
0x14: {  	s19 =	sshrl.u32 s17, $0x3  }
0x15: {  	s18 =	sand.u32 $0x7, s17;
	s28 =	smul.u32 $0x55000, s19  }
0x16: {  	s20 =	sshll.u32 s18, $0x7  }
0x17: {  	s17 =	sor.u32 s20, s28  }
0x18: {  	s17 =	sshrl.u32 s17, $0x3  }
0x19: {  	s21 =	simm.s32 $0x0;
	s20 =	sadd.s32 s0, s17  }
0x1a: {  	s23 =	simm.s32 $0x400;
	s31 =	simm.s32 $0x800;
	s22 =	sadd.s32 $0x0, s20  }
0x1b: {  	[tilespmem:s21], [sflag:$0x1] =	stream.strided.gather [hbm4b:s22+s7], $0x400, s8, s7, $0x38;
	[tilespmem:$0x15A00] =	vst v63  }
0x1c: {  	s24 =	simm.s32 $0xC00;
	s29 =	sadd.s32 $0x80, s22;
	s30 =	sadd.s32 $0x100, s22  }
0x1d: {  	[tilespmem:s23], [sflag:$0x1] =	stream.strided.gather [hbm4b:s29+s7], $0x400, s8, s7, $0x38;
	[tilespmem:$0x15A00] =	vst v63  }
0x1e: {  	s21 =	simm.s32 $0x1000;
	s23 =	sadd.s32 $0x180, s22;
	s22 =	simm.s32 $0x1000  }
0x1f: {  	[tilespmem:s31], [sflag:$0x1] =	stream.strided.gather [hbm4b:s30+s7], $0x400, s8, s7, $0x38;
	[tilespmem:$0x15A00] =	vst v63  }
.LBB2_3:
0x20: {  	[tilespmem:s24], [sflag:$0x1] =	stream.strided.gather [hbm4b:s23+s7], $0x400, s8, s7, $0x38;
	[tilespmem:$0x15A00] =	vst v63  }
0x21: {  	s23 =	sadd.s32 s21, s20;
	p0 =	seq.s32 s21, $0x9000;
	s21 =	sadd.s32 $0x1000, s21  }
0x22: {  	[tilespmem:s22], [sflag:$0x1] =	stream.strided.gather [hbm4b:s23+s7], $0x400, s8, s7, $0x38;
	[tilespmem:$0x15A00] =	vst v63  }
.Ltmp0:
0x23: {  	s25 =	sadd.s32 $0x400, s22;
	s24 =	sadd.s32 $0x80, s23;
	(pc) =	sbr.rel @!p0 .LBB2_3-.Ltmp0, $4  }
0x24: {  	[tilespmem:s25], [sflag:$0x1] =	stream.strided.gather [hbm4b:s24+s7], $0x400, s8, s7, $0x38;
	[tilespmem:$0x15A00] =	vst v63  }
0x25: {  	s24 =	sadd.s32 $0x100, s23;
	s25 =	sadd.s32 $0x800, s22  }
0x26: {  	[tilespmem:s25], [sflag:$0x1] =	stream.strided.gather [hbm4b:s24+s7], $0x400, s8, s7, $0x38;
	[tilespmem:$0x15A00] =	vst v63  }
0x27: {  	s23 =	sadd.s32 $0x180, s23;
	s24 =	sadd.s32 $0xC00, s22;
	s22 =	sadd.s32 $0x1000, s22  }
0x28: {  	[tilespmem:s24], [sflag:$0x1] =	stream.strided.gather [hbm4b:s23+s7], $0x400, s8, s7, $0x38;
	[tilespmem:$0x15A00] =	vst v63  }
0x29: {  	s21 =	sadd.s32 $0xA000, s20  }
0x2a: {  	[tilespmem:s9], [sflag:$0x1] =	stream.strided.gather [hbm4b:s21+s7], $0x280, s8, s7, $0x38;
	[tilespmem:$0x15A00] =	vst v63  }
0x2b: {  	s29 =	sadd.s32 $0xA080, s20  }
0x2c: {  	[tilespmem:s10], [sflag:$0x1] =	stream.strided.gather [hbm4b:s29+s7], $0x280, s8, s7, $0x38;
	[tilespmem:$0x15A00] =	vst v63  }
0x2d: {  	s30 =	sadd.s32 $0xA100, s20  }
0x2e: {  	[tilespmem:s11], [sflag:$0x1] =	stream.strided.gather [hbm4b:s30+s7], $0x280, s8, s7, $0x38;
	[tilespmem:$0x15A00] =	vst v63  }
0x2f: {  	s31 =	sadd.s32 $0xA180, s20  }
0x30: {  	[tilespmem:s12], [sflag:$0x1] =	stream.strided.gather [hbm4b:s31+s7], $0x280, s8, s7, $0x38;
	[tilespmem:$0x15A00] =	vst v63  }
0x31: {  	_ =	swait.ge [sflag:s13], $0xAA00  }
0x32: {  	s20 =	simm.s32 $0x0;
	[sflag:s13] =	ssyncset.done $0x0  }
0x33: {  	s22 =	simm.s32 $0x0;
	s21 =	simm.s32 $0x0;
	[sflag:s13] =	ssyncadd.s32 $0xFFFF5600  }
.LBB2_5:
0x34: {  	s23 =	sshll.u32 s21, $0x2;
	s24 =	sand.u32 $0x7, s20  }
0x35: {  	s23 =	sand.u32 $0xFFFFF000, s23;
	s24 =	sshll.u32 s24, $0x6  }
0x36: {  	s23 =	sor.u32 s24, s23  }
0x37: {  	s23 =	sshrl.u32 s23, $0x2  }
0x38: {  	s23 =	sadd.s32 $0x1180, s23  }
0x39: {  	v8 =	vld [tilespmem:s23+$0xFFFFF100]  }
0x3a: {  	v9 =	vld [tilespmem:s23+$0x0]  }
0x3b: {  	v10 =	vld [tilespmem:s23+$0xFFFFFF80];
	_ =	sdelay $0x2  }
0x3c: {  	v8 =	vsub.f32 $0.0e+00, v8  }
0x3d: {  	v11 =	vld [tilespmem:s23+$0xFFFFFF00];
	v9 =	vsub.f32 $0.0e+00, v9  }
0x3e: {  	v12 =	vld [tilespmem:s23+$0xFFFFF080];
	v10 =	vsub.f32 $0.0e+00, v10;
	v8 =	vmul.f32 $1.442695020e+00, v8  }
0x3f: {  	v13 =	vld [tilespmem:s23+$0xFFFFF200];
	v9 =	vmul.f32 $1.442695020e+00, v9  }
0x40: {  	v14 =	vld [tilespmem:s23+$0xFFFFFE80];
	v10 =	vmul.f32 $1.442695020e+00, v10;
	(erf) = vpow2.f32 v8  }
0x41: {  	v8 =	vld [tilespmem:s23+$0xFFFFF180];
	(erf) = vpow2.f32 v9  }
0x42: {  	v9 =	vsub.f32 $0.0e+00, v11;
	(erf) = vpow2.f32 v10  }
0x43: {  	s3 =	sadd.s32 $0x1000, s23;
	s23 =	sshll.u32 s22, $0x4;
	v10 =	vsub.f32 $0.0e+00, v12  }
0x44: {  	v11 =	vsub.f32 $0.0e+00, v13;
	v13 =	vmov s23;
	v9 =	vmul.f32 $1.442695020e+00, v9  }
0x45: {  	v16 =	vld [tilespmem:s3+$0xFFFFF080];
	v12 =	vsub.f32 $0.0e+00, v14;
	v13 =	vmul.u32 $0x55, v13;
	v10 =	vmul.f32 $1.442695020e+00, v10  }
0x46: {  	v11 =	vmul.f32 $1.442695020e+00, v11;
	v8 =	vsub.f32 $0.0e+00, v8;
	(erf) = vpow2.f32 v9;
	v9 =	vld [tilespmem:s3+$0xFFFFF100]  }
0x47: {  	v12 =	vmul.f32 $1.442695020e+00, v12;
	(erf) = vpow2.f32 v10;
	v10 =	vld [tilespmem:s3+$0x0]  }
0x48: {  	v14 =	vmul.f32 $1.442695020e+00, v8;
	(erf) = vpow2.f32 v11;
	v11 =	vld [tilespmem:s3+$0xFFFFFF80]  }
0x49: {  	(erf) = vpow2.f32 v12;
	v12 =	vld [tilespmem:s3+$0xFFFFFF00];
	v15 =	vpop (erf)  }
0x4a: {  	v8 =	vbroadcast v13, $0x0;
	(erf) = vpow2.f32 v14;
	v13 =	vpop (erf);
	v14 =	vadd.f32 $1.000000000e+00, v15  }
0x4b: {  	v18 =	vld [tilespmem:s3+$0xFFFFF200];
	v16 =	vsub.f32 $0.0e+00, v16;
	v17 =	vsub.f32 $0.0e+00, v9;
	v15 =	vpop (erf)  }
0x4c: {  	v10 =	vsub.f32 $0.0e+00, v10;
	v15 =	vadd.f32 $1.000000000e+00, v15;
	(erf) = vrcp.f32 v14;
	v14 =	vld [tilespmem:s3+$0xFFFFFE80]  }
0x4d: {  	v19 =	vld [tilespmem:s3+$0xFFFFF180];
	v16 =	vmul.f32 $1.442695020e+00, v16;
	v17 =	vmul.f32 $1.442695020e+00, v17;
	v11 =	vsub.f32 $0.0e+00, v11  }
0x4e: {  	v12 =	vsub.f32 $0.0e+00, v12;
	v10 =	vmul.f32 $1.442695020e+00, v10;
	(erf) = vrcp.f32 v15  }
0x4f: {  	v11 =	vmul.f32 $1.442695020e+00, v11;
	(erf) = vpow2.f32 v17  }
0x50: {  	v18 =	vsub.f32 $0.0e+00, v18;
	v20 =	vpop (erf);
	v12 =	vmul.f32 $1.442695020e+00, v12;
	(erf) = vpow2.f32 v10  }
0x51: {  	v13 =	vadd.f32 $1.000000000e+00, v13;
	v17 =	vpop (erf);
	(erf) = vpow2.f32 v11;
	v14 =	vsub.f32 $0.0e+00, v14  }
0x52: {  	v19 =	vsub.f32 $0.0e+00, v19;
	v18 =	vmul.f32 $1.442695020e+00, v18;
	v10 =	vpop (erf);
	(erf) = vpow2.f32 v12  }
0x53: {  	s6 =	simm.s32 $0x5;
	v9 =	vadd.s32 v1, v8;
	v11 =	vpop (erf);
	(erf) = vrcp.f32 v13;
	v14 =	vmul.f32 $1.442695020e+00, v14  }
0x54: {  	s31 =	sadd.s32 $0x1000, s3;
	v19 =	vmul.f32 $1.442695020e+00, v19;
	v21 =	vadd.s32 s6, v9;
	(erf) = vpow2.f32 v16  }
0x55: {  	s1 =	simm.s32 $0x9;
	v24 =	vld [tilespmem:s31+$0xFFFFFF00];
	v22 =	vpop (erf);
	v13 =	vadd.f32 $1.000000000e+00, v17;
	v17 =	vadd.f32 $1.000000000e+00, v10;
	(erf) = vpow2.f32 v18  }
0x56: {  	v26 =	vadd.s32 s1, v9;
	v16 =	vadd.f32 $1.000000000e+00, v20;
	v20 =	vld [tilespmem:s31+$0xFFFFF100];
	v18 =	vpop (erf);
	(erf) = vpow2.f32 v14  }
0x57: {  	s2 =	simm.s32 $0xB;
	s3 =	simm.s32 $0x7;
	v11 =	vadd.f32 $1.000000000e+00, v11;
	v12 =	vadd.f32 $1.000000000e+00, v22;
	v22 =	vld [tilespmem:s31+$0x0];
	v14 =	vpop (erf);
	(erf) = vrcp.f32 v17  }
0x58: {  	s25 =	simm.s32 $0xA;
	s26 =	simm.s32 $0x4;
	v32 =	vld [tilespmem:s31+$0xFFFFF080];
	v27 =	vadd.s32 s2, v9;
	v30 =	vadd.s32 s3, v9;
	v25 =	vpop (erf);
	(erf) = vpow2.f32 v19  }
0x59: {  	v15 =	vadd.s32 s25, v9;
	s25 =	simm.s32 $0x6;
	v10 =	vadd.s32 s26, v9;
	s26 =	simm.s32 $0x8;
	v17 =	vld [tilespmem:s31+$0xFFFFFF80];
	v19 =	vpop (erf);
	(erf) = vrcp.f32 v11  }
0x5a: {  	v28 =	vld [tilespmem:s31+$0xFFFFFE80];
	v23 =	vadd.s32 s25, v9;
	v31 =	vadd.s32 s26, v9;
	v29 =	vpop (erf);
	(erf) = vrcp.f32 v16  }
0x5b: {  	v34 =	vld [tilespmem:s31+$0xFFFFF180];
	v25 =	vadd.f32 $1.000000000e+00, v25;
	v20 =	vsub.f32 $0.0e+00, v20;
	v33 =	vpop (erf);
	(erf) = vrcp.f32 v12  }
0x5c: {  	v22 =	vsub.f32 $0.0e+00, v22;
	v16 =	vld [tilespmem:s31+$0xFFFFF200];
	v29 =	vadd.f32 $1.000000000e+00, v29;
	(erf) = vrcp.f32 v13  }
0x5d: {  	[tilespmem:v21+s14+$0x0] =	vst.idx.msk $0xffff, v18;
	v18 =	vsub.f32 $0.0e+00, v32;
	v20 =	vmul.f32 $1.442695020e+00, v20;
	v13 =	vpop (erf);
	(erf) = vrcp.f32 v25  }
0x5e: {  	v22 =	vmul.f32 $1.442695020e+00, v22;
	v17 =	vsub.f32 $0.0e+00, v17;
	v61 =	vpop (erf);
	(erf) = vrcp.f32 v29  }
0x5f: {  	[tilespmem:v15+s14+$0x0] =	vst.idx.msk $0xffff, v14;
	v15 =	vsub.f32 $0.0e+00, v28;
	v12 =	vsub.f32 $0.0e+00, v24;
	v63 =	vpop (erf);
	(erf) = vpow2.f32 v20  }
0x60: {  	s6 =	simm.s32 $0x12;
	v17 =	vmul.f32 $1.442695020e+00, v17;
	v21 =	vpop (erf);
	(erf) = vpow2.f32 v22;
	v22 =	vsub.f32 $0.0e+00, v34  }
0x61: {  	s25 =	simm.s32 $0xD;
	v11 =	vadd.s32 s6, v9;
	v62 =	vmul.f32 $1.442695020e+00, v12;
	v14 =	vsub.f32 $0.0e+00, v16;
	v16 =	vpop (erf)  }
0x62: {  	v12 =	vadd.s32 s25, v9;
	[tilespmem:v27+s14+$0x0] =	vst.idx.msk $0xffff, v13;
	v20 =	vmul.f32 $1.442695020e+00, v18;
	(erf) = vpow2.f32 v17;
	v13 =	vpop (erf)  }
0x63: {  	[tilespmem:v30+s14+$0x0] =	vst.idx.msk $0xffff, v16;
	v18 =	vmul.f32 $1.442695020e+00, v14;
	v17 =	vadd.f32 $1.000000000e+00, v19;
	v14 =	vadd.f32 $1.000000000e+00, v61;
	v19 =	vpop (erf)  }
0x64: {  	s28 =	simm.s32 $0xC;
	s29 =	simm.s32 $0xE;
	s26 =	sshll.u32 s22, $0x7;
	v13 =	vadd.f32 $1.000000000e+00, v13;
	v16 =	vmul.f32 $1.442695020e+00, v22;
	(erf) = vpow2.f32 v62;
	[tilespmem:v31+s14+$0x0] =	vst.idx.msk $0xffff, v19;
	v22 =	vpop (erf)  }
0x65: {  	s30 =	simm.s32 $0x1C;
	s23 =	sand.u32 $0x70, s23;
	s24 =	sand.u32 $0xC00, s26;
	v19 =	vmul.f32 $1.442695020e+00, v15;
	v15 =	vadd.f32 $1.000000000e+00, v33;
	(erf) = vrcp.f32 v17;
	[tilespmem:v26+s14+$0x0] =	vst.idx.msk $0xffff, v22;
	v22 =	vpop (erf)  }
0x66: {  	s26 =	simm.s32 $0x16;
	s31 =	sadd.s32 $0x1000, s31;
	s25 =	simm.s32 $0x14;
	v17 =	vadd.f32 $1.000000000e+00, v21;
	(erf) = vpow2.f32 v20;
	v20 =	vadd.f32 $1.000000000e+00, v63;
	[tilespmem:v23+s14+$0x0] =	vst.idx.msk $0xffff, v22;
	v21 =	vpop (erf)  }
.LBB2_6:
0x67: {  	s1 =	sadd.s32 $0x2, s30  }
0x68: {  	v22 =	vld [tilespmem:s31+$0xFFFFF100];
	p0 =	slt.u32 s30, $0x4C;
	(erf) = vpow2.f32 v18;
	v18 =	vpop (erf);
	[tilespmem:v10+s14+$0x0] =	vst.idx.msk $0xffff, v21;
	s2 =	smov.u32 s30;
	s30 =	sadd.s32 $0x8, s30  }
0x69: {  	v23 =	vadd.s32 s29, v9;
	s6 =	sadd.s32 $0x5, s28;
	s29 =	smov.u32 s26;
	v21 =	vld [tilespmem:s31+$0x0];
	(erf) = vpow2.f32 v19;
	[tilespmem:v12+s14+$0x0] =	vst.idx.msk $0xffff, v18;
	v12 =	vpop (erf);
	s26 =	smov.u32 s1  }
0x6a: {  	v10 =	vadd.s32 s28, v9;
	v24 =	vadd.s32 s6, v9;
	s1 =	sadd.s32 $0x7, s28;
	v18 =	vld [tilespmem:s31+$0xFFFFFF00];
	v19 =	vpop (erf);
	[tilespmem:v11+s14+$0x0] =	vst.idx.msk $0xffff, v12;
	(erf) = vrcp.f32 v20  }
0x6b: {  	s3 =	sadd.s32 $0x4, s28;
	s6 =	sadd.s32 $0x3, s28;
	s28 =	smov.u32 s25;
	v20 =	vadd.s32 s1, v9;
	v12 =	vld [tilespmem:s31+$0xFFFFFF80];
	v19 =	vadd.f32 $1.000000000e+00, v19;
	(erf) = vpow2.f32 v16;
	v16 =	vpop (erf)  }
0x6c: {  	v27 =	vadd.s32 s3, v9;
	s25 =	smov.u32 s2;
	v26 =	vadd.s32 s6, v9;
	v25 =	vld [tilespmem:s31+$0xFFFFFE80];
	v11 =	vpop (erf);
	(erf) = vrcp.f32 v17  }
0x6d: {  	s1 =	sadd.s32 $0x6, s28;
	v17 =	vld [tilespmem:s31+$0xFFFFF080];
	v22 =	vsub.f32 $0.0e+00, v22;
	v28 =	vadd.f32 $1.000000000e+00, v11;
	(erf) = vrcp.f32 v15  }
0x6e: {  	v11 =	vadd.s32 s1, v9;
	v15 =	vld [tilespmem:s31+$0xFFFFF200];
	v21 =	vsub.f32 $0.0e+00, v21;
	v29 =	vpop (erf);
	(erf) = vrcp.f32 v13  }
0x6f: {  	v13 =	vmul.f32 $1.442695020e+00, v22;
	v22 =	vld [tilespmem:s31+$0xFFFFF180];
	v18 =	vsub.f32 $0.0e+00, v18;
	(erf) = vrcp.f32 v14;
	v14 =	vpop (erf)  }
0x70: {  	s1 =	sadd.s32 $0x1, s28;
	v30 =	vsub.f32 $0.0e+00, v12;
	v21 =	vmul.f32 $1.442695020e+00, v21;
	v31 =	vpop (erf);
	(erf) = vrcp.f32 v19;
	[tilespmem:v20+s14+$0x0] =	vst.idx.msk $0xffff, v14  }
0x71: {  	v12 =	vadd.s32 s1, v9;
	v14 =	vmul.f32 $1.442695020e+00, v18;
	v20 =	vpop (erf);
	(erf) = vrcp.f32 v28  }
0x72: {  	v17 =	vsub.f32 $0.0e+00, v17;
	v18 =	vmul.f32 $1.442695020e+00, v30;
	(erf) = vpow2.f32 v13;
	v28 =	vpop (erf)  }
0x73: {  	v13 =	vsub.f32 $0.0e+00, v15;
	v15 =	vsub.f32 $0.0e+00, v25;
	(erf) = vpow2.f32 v21;
	v19 =	vpop (erf)  }
.Ltmp1:
0x74: {  	v17 =	vmul.f32 $1.442695020e+00, v17;
	v25 =	vsub.f32 $0.0e+00, v22;
	(erf) = vpow2.f32 v18;
	v22 =	vpop (erf);
	[tilespmem:v26+s14+$0x0] =	vst.idx.msk $0xffff, v19;
	(pc) =	sbr.rel @p0 .LBB2_6-.Ltmp1, $4  }
0x75: {  	v18 =	vmul.f32 $1.442695020e+00, v13;
	v13 =	vadd.f32 $1.000000000e+00, v22;
	v22 =	vadd.f32 $1.000000000e+00, v16;
	v19 =	vpop (erf)  }
0x76: {  	v16 =	vmul.f32 $1.442695020e+00, v25;
	(erf) = vpow2.f32 v14;
	v14 =	vadd.f32 $1.000000000e+00, v31;
	[tilespmem:v27+s14+$0x0] =	vst.idx.msk $0xffff, v19;
	v21 =	vpop (erf)  }
0x77: {  	v19 =	vmul.f32 $1.442695020e+00, v15;
	v15 =	vadd.f32 $1.000000000e+00, v29;
	(erf) = vrcp.f32 v22;
	[tilespmem:v24+s14+$0x0] =	vst.idx.msk $0xffff, v21;
	v21 =	vpop (erf)  }
0x78: {  	s31 =	sadd.s32 $0x1000, s31;
	v20 =	vadd.f32 $1.000000000e+00, v20;
	(erf) = vpow2.f32 v17;
	v17 =	vadd.f32 $1.000000000e+00, v28;
	[tilespmem:v23+s14+$0x0] =	vst.idx.msk $0xffff, v21;
	v21 =	vpop (erf)  }
0x79: {  	(erf) = vpow2.f32 v18  }
0x7a: {  	v26 =	vpop (erf);
	(erf) = vpow2.f32 v19  }
0x7b: {  	v27 =	vpop (erf);
	(erf) = vrcp.f32 v20  }
0x7c: {  	v28 =	vpop (erf);
	(erf) = vpow2.f32 v16  }
0x7d: {  	v29 =	vpop (erf)  }
0x7e: {  	v22 =	vpop (erf);
	(erf) = vrcp.f32 v17  }
0x7f: {  	(erf) = vrcp.f32 v15;
	v30 =	vpop (erf)  }
0x80: {  	s1 =	sadd.s32 $0x7, s28;
	v31 =	vadd.f32 $1.000000000e+00, v28;
	(erf) = vrcp.f32 v13;
	v32 =	vpop (erf)  }
0x81: {  	s30 =	sadd.s32 $0x3, s28;
	v33 =	vadd.s32 s1, v9;
	v22 =	vadd.f32 $1.000000000e+00, v22;
	(erf) = vrcp.f32 v14;
	v34 =	vpop (erf)  }
0x82: {  	s31 =	sadd.s32 $0x4, s28;
	v23 =	vadd.s32 s30, v9;
	v16 =	vadd.f32 $1.000000000e+00, v29;
	(erf) = vrcp.f32 v31;
	v35 =	vpop (erf)  }
0x83: {  	[tilespmem:v10+s14+$0x0] =	vst.idx.msk $0xffff, v21;
	s2 =	sadd.s32 $0x5, s28;
	v36 =	vadd.s32 s31, v9;
	(erf) = vrcp.f32 v22;
	v37 =	vpop (erf);
	v17 =	vadd.f32 $1.000000000e+00, v35  }
0x84: {  	[tilespmem:v12+s14+$0x0] =	vst.idx.msk $0xffff, v26;
	v38 =	vadd.s32 s2, v9;
	v39 =	vpop (erf);
	(erf) = vrcp.f32 v16;
	v40 =	vadd.f32 $1.000000000e+00, v37  }
0x85: {  	v41 =	vadd.s32 s29, v9;
	[tilespmem:v11+s14+$0x0] =	vst.idx.msk $0xffff, v27;
	v15 =	vadd.f32 $1.000000000e+00, v30;
	v42 =	vpop (erf);
	(erf) = vrcp.f32 v17  }
0x86: {  	v43 =	vadd.s32 s28, v9;
	s3 =	sadd.s32 $0x1, s25;
	[tilespmem:v33+s14+$0x0] =	vst.idx.msk $0xffff, v32;
	v11 =	vadd.f32 $1.000000000e+00, v42;
	(erf) = vrcp.f32 v40  }
0x87: {  	s2 =	sadd.s32 $0x6, s25;
	v44 =	vadd.s32 s3, v9;
	v14 =	vadd.f32 $1.000000000e+00, v34;
	[tilespmem:v23+s14+$0x0] =	vst.idx.msk $0xffff, v39;
	v45 =	vpop (erf);
	(erf) = vrcp.f32 v15  }
0x88: {  	s6 =	sadd.s32 $0x7, s25;
	v46 =	vadd.s32 s2, v9;
	[tilespmem:v36+s14+$0x0] =	vst.idx.msk $0xffff, v45;
	v47 =	vpop (erf);
	(erf) = vrcp.f32 v11  }
0x89: {  	s28 =	sadd.s32 $0x3, s25;
	v49 =	vadd.s32 s6, v9;
	[tilespmem:v38+s14+$0x0] =	vst.idx.msk $0xffff, v47;
	v48 =	vpop (erf);
	(erf) = vrcp.f32 v14  }
0x8a: {  	s29 =	sadd.s32 $0x4, s25;
	v51 =	vadd.s32 s28, v9;
	[tilespmem:v41+s14+$0x0] =	vst.idx.msk $0xffff, v48;
	v50 =	vpop (erf)  }
0x8b: {  	s30 =	sadd.s32 $0x5, s25;
	v53 =	vadd.s32 s29, v9;
	v52 =	vpop (erf);
	[tilespmem:v43+s14+$0x0] =	vst.idx.msk $0xffff, v50  }
0x8c: {  	v55 =	vadd.s32 s30, v9;
	[tilespmem:v44+s14+$0x0] =	vst.idx.msk $0xffff, v52;
	v54 =	vpop (erf)  }
0x8d: {  	v56 =	vadd.s32 s26, v9;
	[tilespmem:v46+s14+$0x0] =	vst.idx.msk $0xffff, v54;
	v57 =	vpop (erf)  }
0x8e: {  	v58 =	vadd.s32 s25, v9;
	[tilespmem:v49+s14+$0x0] =	vst.idx.msk $0xffff, v57;
	v59 =	vpop (erf)  }
0x8f: {  	[tilespmem:v51+s14+$0x0] =	vst.idx.msk $0xffff, v59;
	v60 =	vpop (erf)  }
0x90: {  	[tilespmem:v53+s14+$0x0] =	vst.idx.msk $0xffff, v60;
	v61 =	vpop (erf)  }
0x91: {  	[tilespmem:v55+s14+$0x0] =	vst.idx.msk $0xffff, v61;
	v62 =	vpop (erf)  }
0x92: {  	[tilespmem:v56+s14+$0x0] =	vst.idx.msk $0xffff, v62;
	v63 =	vpop (erf)  }
0x93: {  	s31 =	sadd.s32 s23, s24;
	[tilespmem:v58+s14+$0x0] =	vst.idx.msk $0xffff, v63  }
0x94: {  	v9 =	vld [tilespmem:s31+$0xA200];
	_ =	sdelay $0x4  }
0x95: {  	v9 =	vsub.f32 $0.0e+00, v9;
	_ =	sdelay $0x1  }
0x96: {  	v9 =	vmul.f32 $1.442695020e+00, v9;
	_ =	sdelay $0x1  }
0x97: {  	(erf) = vpow2.f32 v9;
	_ =	sdelay $0x8  }
0x98: {  	v9 =	vpop (erf)  }
0x99: {  	v9 =	vadd.f32 $1.000000000e+00, v9;
	_ =	sdelay $0x1  }
0x9a: {  	(erf) = vrcp.f32 v9;
	_ =	sdelay $0x3  }
0x9b: {  	s22 =	sadd.s32 $0x1, s22  }
0x9c: {  	v8 =	vadd.s32 v2, v8;
	p0 =	sne.s32 s22, $0x20  }
.Ltmp2:
0x9d: {  	_ = 	snop;
	(pc) =	sbr.rel @p0 .LBB2_5-.Ltmp2, $3  }
0x9e: {  	_ =	sdelay $0x1  }
0x9f: {  	v9 =	vpop (erf)  }
0xa0: {  	s21 =	sadd.s32 $0x80, s21;
	s20 =	sadd.s32 $0x1, s20;
	[tilespmem:v8+s14+$0x0] =	vst.idx.msk $0xffff, v9  }
0xa1: {  	s1 =	simm.s32 $0x0;
	s21 =	simm.s32 $0x10  }
0xa2: {  	s20 =	simm.s32 $0x30;
	s1 =	sand.u32 $0xC00, s1;
	s2 =	sand.u32 $0x50, s21  }
0xa3: {  	s3 =	sand.u32 $0x70, s20;
	s22 =	sor.u32 s2, s1  }
0xa4: {  	s31 =	simm.s32 $0x0;
	s25 =	sor.u32 s3, s1;
	v8 =	vld [tilespmem:s22+$0x80]  }
0xa5: {  	s23 =	sand.u32 $0x40, s31;
	v9 =	vld [tilespmem:s25+$0x0]  }
0xa6: {  	s23 =	sor.u32 s23, s1;
	v10 =	vld [tilespmem:s25+$0x80]  }
0xa7: {  	v11 =	vld [tilespmem:s23+$0x0];
	_ =	sdelay $0x1  }
0xa8: {  	s26 =	simm.s32 $0x20;
	v12 =	vld [tilespmem:s23+$0x80];
	v8 =	vsub.f32 $0.0e+00, v8  }
0xa9: {  	s24 =	sand.u32 $0x60, s26;
	v13 =	vld [tilespmem:s22+$0x0];
	v9 =	vsub.f32 $0.0e+00, v9  }
0xaa: {  	s24 =	sor.u32 s24, s1;
	v10 =	vsub.f32 $0.0e+00, v10;
	v8 =	vmul.f32 $1.442695020e+00, v8  }
0xab: {  	v14 =	vld [tilespmem:s24+$0x0];
	v11 =	vsub.f32 $0.0e+00, v11;
	v9 =	vmul.f32 $1.442695020e+00, v9  }
0xac: {  	v10 =	vmul.f32 $1.442695020e+00, v10;
	(erf) = vpow2.f32 v8  }
0xad: {  	v12 =	vsub.f32 $0.0e+00, v12;
	v8 =	vmul.f32 $1.442695020e+00, v11;
	(erf) = vpow2.f32 v9  }
0xae: {  	v15 =	vld [tilespmem:s24+$0x80];
	v9 =	vsub.f32 $0.0e+00, v13;
	(erf) = vpow2.f32 v10  }
0xaf: {  	v11 =	vmul.f32 $1.442695020e+00, v12;
	(erf) = vpow2.f32 v8  }
0xb0: {  	v12 =	vsub.f32 $0.0e+00, v14;
	v8 =	vmul.f32 $1.442695020e+00, v9  }
0xb1: {  	(erf) = vpow2.f32 v11  }
0xb2: {  	v9 =	vmul.f32 $1.442695020e+00, v12;
	(erf) = vpow2.f32 v8  }
0xb3: {  	s28 =	smulhi.u32 $0x55555556, s19;
	v11 =	vsub.f32 $0.0e+00, v15  }
0xb4: {  	s6 =	sshll.u32 s18, $0x9;
	v24 =	vor.u32 s20, v0;
	v13 =	vmov s31;
	(erf) = vpow2.f32 v9  }
0xb5: {  	s1 =	smul.u32 $0x3, s28;
	s28 =	simm.s32 $0x50;
	v10 =	vmov s6;
	v13 =	vmul.u32 $0x55, v13;
	v12 =	vmul.f32 $1.442695020e+00, v11;
	v15 =	vpop (erf)  }
0xb6: {  	v14 =	vor.u32 s21, v10;
	v26 =	vor.u32 s28, v10;
	v11 =	vor.u32 s6, v0;
	v17 =	vpop (erf)  }
0xb7: {  	v16 =	vor.u32 s31, v11;
	(erf) = vpow2.f32 v12;
	v15 =	vadd.f32 $1.000000000e+00, v15;
	v19 =	vpop (erf)  }
0xb8: {  	s1 =	ssub.s32 s19, s1;
	vm1 =	veq.s32 v16, $0x0;
	v16 =	vshrl.u32 v16, $0x6;
	v20 =	vpop (erf);
	v19 =	vadd.f32 $1.000000000e+00, v19  }
0xb9: {  	s3 =	simm.f32 $5.859375000e-02;
	p1 =	seq.s32 s1, $0x1;
	vm1 =	vmand vm1, vm0;
	(erf) = vrcp.f32 v15;
	v20 =	vadd.f32 $1.000000000e+00, v20  }
0xba: {  	p0 =	seq.s32 s1, $0x0;
	s1 =	simm.f32 $3.125000000e-02;
	s3 =	simm.s32 @!p1 $0x3D380000;
	v28 =	vadd.s32 v1, v13;
	v21 =	vsel vm1, $0xFFFFFFFF, v3;
	v22 =	vpop (erf);
	(erf) = vrcp.f32 v19  }
0xbb: {  	s1 =	simm.s32 @!p1 $0x3D840000;
	s3 =	simm.s32 @p0 $0x3CD00000;
	v26 =	vshrl.u32 v26, $0x6;
	v15 =	vadd.s32 v21, v16;
	v16 =	vpop (erf);
	(erf) = vrcp.f32 v20  }
0xbc: {  	s1 =	simm.s32 @p0 $0x3CA00000;
	v29 =	vadd.s32 v5, v13;
	v8 =	vmov s3;
	v59 =	vcvt.s32.f32 v26  }
0xbd: {  	v9 =	vmov s1;
	s31 =	simm.s32 $0x40;
	v12 =	vshrl.u32 v14, $0x6;
	v17 =	vadd.f32 $1.000000000e+00, v17;
	v20 =	vpop (erf)  }
0xbe: {  	v14 =	vor.u32 s26, v0;
	v49 =	vor.u32 s31, v11;
	v20 =	vadd.f32 $1.000000000e+00, v20  }
0xbf: {  	v18 =	vand.u32 $0x2F, v14;
	v16 =	vadd.f32 $1.000000000e+00, v16;
	(erf) = vrcp.f32 v17  }
0xc0: {  	v14 =	vmul.u32 $0x55, v14;
	v12 =	vcvt.s32.f32 v12;
	(erf) = vrcp.f32 v20  }
0xc1: {  	vm1 =	veq.s32 v49, $0x0;
	v17 =	vadd.f32 $1.000000000e+00, v22;
	v22 =	vpop (erf);
	(erf) = vrcp.f32 v16  }
0xc2: {  	v33 =	vmov s31;
	vm1 =	vmand vm1, vm0;
	v21 =	vor.u32 s26, v10;
	v20 =	vpop (erf)  }
0xc3: {  	v54 =	vadd.s32 $0x2, v14;
	v21 =	vshrl.u32 v21, $0x6;
	v15 =	vcvt.s32.f32 v15;
	v25 =	vpop (erf)  }
0xc4: {  	s29 =	simm.s32 $0x200;
	s26 =	simm.s32 $0x70;
	v19 =	vor.u32 s21, v0;
	v16 =	vadd.f32 $1.000000000e+00, v22;
	v27 =	vadd.f32 v12, v20;
	v12 =	vpop (erf)  }
0xc5: {  	s1 =	sand.u32 $0xC00, s29;
	s30 =	sand.u32 $0x70, s26;
	v23 =	vand.u32 $0x1F, v19;
	(erf) = vrcp.f32 v17;
	v12 =	vadd.f32 v4, v12  }
0xc6: {  	s19 =	sor.u32 s30, s1;
	(erf) = vrcp.f32 v16;
	v16 =	vcvt.s32.f32 v18;
	v18 =	vor.u32 s20, v10  }
0xc7: {  	v26 =	vor.u32 s26, v10;
	s21 =	sand.u32 $0x50, s28;
	v35 =	vld [tilespmem:s19+$0x0];
	v17 =	vcvt.s32.f32 v23;
	v18 =	vshrl.u32 v18, $0x6  }
0xc8: {  	v32 =	vld [tilespmem:s19+$0x80];
	s18 =	sor.u32 s21, s1;
	v20 =	vmul.u32 $0x55, v24;
	v24 =	vand.u32 $0x3F, v24;
	v18 =	vcvt.s32.f32 v18;
	v31 =	vpop (erf)  }
0xc9: {  	s29 =	sand.u32 $0x40, s31;
	s30 =	simm.s32 $0x60;
	v19 =	vmul.u32 $0x55, v19;
	v37 =	vld [tilespmem:s18+$0x80];
	v24 =	vcvt.s32.f32 v24;
	v34 =	vmul.f32 $1.562500000e-02, v12;
	v12 =	vpop (erf)  }
0xca: {  	v21 =	vcvt.s32.f32 v21;
	v36 =	vor.u32 s30, v0;
	s20 =	sor.u32 s29, s1;
	v18 =	vadd.f32 v18, v25;
	v25 =	vpop (erf)  }
0xcb: {  	v23 =	vadd.s32 $0x1, v19;
	v24 =	vadd.f32 v24, v31;
	v31 =	vld [tilespmem:s20+$0x0];
	v17 =	vadd.f32 v17, v25  }
0xcc: {  	v26 =	vshrl.u32 v26, $0x6;
	s31 =	sand.u32 $0x60, s30;
	v38 =	vand.u32 $0x2F, v36;
	v35 =	vsub.f32 $0.0e+00, v35  }
0xcd: {  	s21 =	sor.u32 s31, s1;
	v32 =	vsub.f32 $0.0e+00, v32;
	v22 =	vadd.s32 $0x1, v14;
	v17 =	vmul.f32 $1.562500000e-02, v17  }
0xce: {  	v50 =	vld [tilespmem:s21+$0x80];
	v37 =	vsub.f32 $0.0e+00, v37;
	v35 =	vmul.f32 $1.442695020e+00, v35;
	v27 =	vmul.f32 $1.562500000e-02, v27  }
0xcf: {  	v32 =	vmul.f32 $1.442695020e+00, v32;
	v30 =	vadd.s32 $0x1, v20;
	v24 =	vmul.f32 $1.562500000e-02, v24;
	v25 =	vld [tilespmem:s20+$0x80];
	[tilespmem:v19+s14+$0x0] =	vst.idx.msk $0xffff, v17  }
0xd0: {  	v16 =	vadd.f32 v16, v12;
	v39 =	vpop (erf);
	[tilespmem:v23+s14+$0x0] =	vst.idx.msk $0xffff, v27;
	v23 =	vld [tilespmem:s18+$0x0];
	v27 =	vsub.f32 $0.0e+00, v31;
	v31 =	vmul.f32 $1.442695020e+00, v37  }
0xd1: {  	v18 =	vmul.f32 $1.562500000e-02, v18;
	v12 =	vmul.u32 $0x55, v33;
	v33 =	vshrl.u32 v49, $0x6;
	v48 =	vpop (erf);
	v17 =	vld [tilespmem:s21+$0x0]  }
0xd2: {  	[tilespmem:v20+s14+$0x0] =	vst.idx.msk $0xffff, v24;
	v16 =	vmul.f32 $1.562500000e-02, v16;
	v21 =	vadd.f32 v21, v48;
	v24 =	vld [tilespmem:s22+$0x100];
	(erf) = vpow2.f32 v31  }
0xd3: {  	v15 =	vadd.f32 v15, v39;
	v27 =	vmul.f32 $1.442695020e+00, v27;
	(erf) = vpow2.f32 v35  }
0xd4: {  	[tilespmem:v30+s14+$0x0] =	vst.idx.msk $0xffff, v18;
	v21 =	vmul.f32 $1.562500000e-02, v21;
	v25 =	vsub.f32 $0.0e+00, v25;
	(erf) = vpow2.f32 v32  }
0xd5: {  	v18 =	vor.u32 s30, v10;
	v51 =	vld [tilespmem:s25+$0x100];
	[tilespmem:v14+s14+$0x0] =	vst.idx.msk $0xffff, v16;
	v16 =	vsub.f32 $0.0e+00, v23;
	(erf) = vpow2.f32 v27  }
0xd6: {  	v15 =	vmul.f32 $1.562500000e-02, v15;
	[tilespmem:v22+s14+$0x0] =	vst.idx.msk $0xffff, v21;
	v25 =	vmul.f32 $1.442695020e+00, v25;
	v17 =	vsub.f32 $0.0e+00, v17;
	v23 =	vld [tilespmem:s25+$0x180]  }
0xd7: {  	v37 =	vsub.f32 $0.0e+00, v50;
	v22 =	vmul.f32 $1.442695020e+00, v24;
	v24 =	vld [tilespmem:s24+$0x100];
	v21 =	vmul.f32 $1.442695020e+00, v16  }
0xd8: {  	v53 =	vshrl.u32 v18, $0x6;
	v17 =	vmul.f32 $1.442695020e+00, v17;
	(erf) = vpow2.f32 v25  }
0xd9: {  	v31 =	vsel vm1, $0xFFFFFFFF, v3;
	v27 =	vld [tilespmem:s24+$0x180];
	v25 =	vmul.f32 $1.442695020e+00, v37;
	(erf) = vpow2.f32 v21  }
0xda: {  	[tilespmem:v28+s14+$0x0] =	vst.idx.msk $0xffff, v34;
	v30 =	vadd.s32 v31, v33;
	v33 =	vmul.f32 $1.442695020e+00, v51;
	(erf) = vpow2.f32 v17  }
0xdb: {  	v18 =	vadd.s32 v6, v13;
	[tilespmem:v29+s14+$0x0] =	vst.idx.msk $0xffff, v15;
	v17 =	vmul.f32 $1.442695020e+00, v23;
	v23 =	vpop (erf);
	(erf) = vpow2.f32 v25  }
0xdc: {  	v15 =	vadd.s32 $0x3, v14;
	v25 =	vld [tilespmem:s23+$0x100];
	v28 =	vmul.f32 $1.442695020e+00, v24;
	v24 =	vpop (erf);
	(erf) = vpow2.f32 v33  }
0xdd: {  	v29 =	vld [tilespmem:s23+$0x180];
	v16 =	vadd.s32 v7, v13;
	v13 =	vadd.s32 $0x3, v19;
	v14 =	vpop (erf);
	(erf) = vpow2.f32 v17  }
0xde: {  	v27 =	vmul.f32 $1.442695020e+00, v27;
	v17 =	vadd.f32 $1.000000000e+00, v23;
	v23 =	vpop (erf);
	(erf) = vpow2.f32 v28  }
0xdf: {  	v21 =	vadd.s32 $0x2, v19;
	v28 =	vadd.f32 $1.000000000e+00, v23;
	(erf) = vpow2.f32 v22  }
0xe0: {  	v19 =	vcvt.s32.f32 v30;
	v30 =	vadd.f32 $1.000000000e+00, v14;
	(erf) = vpow2.f32 v27  }
0xe1: {  	v60 =	vadd.s32 $0x2, v20;
	v22 =	vpop (erf);
	v56 =	vmul.f32 $1.442695020e+00, v25;
	(erf) = vrcp.f32 v17  }
0xe2: {  	v31 =	vor.u32 s28, v0;
	v25 =	vmul.f32 $1.442695020e+00, v29;
	v29 =	vpop (erf);
	(erf) = vrcp.f32 v30  }
0xe3: {  	v52 =	vand.u32 $0x1F, v31;
	v55 =	vadd.f32 $1.000000000e+00, v24;
	(erf) = vrcp.f32 v28;
	v28 =	vpop (erf)  }
0xe4: {  	v24 =	vcvt.s32.f32 v53;
	v28 =	vadd.f32 $1.000000000e+00, v28;
	(erf) = vpow2.f32 v25  }
0xe5: {  	v14 =	vmul.u32 $0x55, v36;
	v29 =	vadd.f32 $1.000000000e+00, v29;
	v57 =	vpop (erf);
	(erf) = vrcp.f32 v55  }
0xe6: {  	v23 =	vadd.s32 $0x3, v20;
	v27 =	vadd.f32 $1.000000000e+00, v22;
	v58 =	vpop (erf);
	(erf) = vrcp.f32 v28  }
0xe7: {  	v17 =	vmul.u32 $0x55, v31;
	v31 =	vcvt.s32.f32 v38;
	v20 =	vpop (erf);
	(erf) = vrcp.f32 v29  }
0xe8: {  	v32 =	vor.u32 s26, v0;
	v33 =	vmul.f32 v58, v9;
	v28 =	vpop (erf);
	(erf) = vpow2.f32 v56  }
0xe9: {  	v22 =	vadd.s32 $0x1, v14;
	v61 =	vmul.f32 v28, v9;
	v28 =	vpop (erf);
	(erf) = vrcp.f32 v27;
	v27 =	vld [tilespmem:s22+$0x180]  }
0xea: {  	v30 =	vcvt.s32.f32 v52;
	v62 =	vadd.f32 $1.000000000e+00, v57;
	v29 =	vcvt.s32.f32 v26;
	v26 =	vpop (erf)  }
0xeb: {  	v25 =	vadd.s32 $0x1, v17;
	v34 =	vmul.f32 v20, v8;
	v20 =	vmul.u32 $0x55, v32;
	[tilespmem:v60+s14+$0x0] =	vst.idx.msk $0xffff, v33;
	v63 =	vpop (erf)  }
0xec: {  	s24 =	simm.s32 $0xB0;
	s23 =	simm.s32 $0x4;
	s22 =	simm.s32 $0x400;
	v28 =	vmul.f32 v28, v9;
	(erf) = vrcp.f32 v62;
	[tilespmem:v54+s14+$0x0] =	vst.idx.msk $0xffff, v61;
	v35 =	vadd.f32 v59, v63;
	v36 =	vpop (erf)  }
.LBB2_9:
0xed: {  	s1 =	sadd.s32 $0xFFFFFFD0, s24;
	s2 =	sand.u32 $0xC00, s22;
	s28 =	sadd.s32 $0xFFFFFFE0, s24;
	v37 =	vadd.s32 v1, v12;
	v33 =	vadd.s32 v5, v12;
	v38 =	vand.u32 $0x3F, v32;
	v32 =	vpop (erf)  }
0xee: {  	s29 =	sand.u32 $0x70, s24;
	s3 =	sand.u32 $0x40, s1;
	s6 =	sand.u32 $0x50, s28;
	v32 =	vadd.f32 v4, v32;
	v39 =	vadd.s32 $0x1, v20;
	v40 =	vmul.f32 $1.442695020e+00, v27;
	v27 =	vpop (erf)  }
0xef: {  	v41 =	vmov s1;
	v42 =	vor.u32 s28, v10;
	s29 =	sor.u32 s29, s2;
	s26 =	sor.u32 s3, s2;
	s25 =	sor.u32 s6, s2;
	v43 =	vpop (erf);
	v44 =	vmul.f32 v27, v8  }
0xf0: {  	s31 =	sadd.s32 $0xFFFFFFF0, s24;
	s23 =	sadd.s32 $0x4, s23;
	v27 =	vshrl.u32 v42, $0x6;
	v42 =	vld [tilespmem:s29+$0x80];
	v45 =	vmul.f32 $1.562500000e-02, v32;
	v46 =	vpop (erf);
	(erf) = vpow2.f32 v40  }
0xf1: {  	v36 =	vadd.f32 v29, v36;
	p0 =	slt.u32 s23, $0x1C;
	v38 =	vcvt.s32.f32 v38;
	s3 =	sand.u32 $0x60, s31;
	v32 =	vor.u32 s31, v0;
	v40 =	vld [tilespmem:s29+$0x0];
	v47 =	vpop (erf)  }
0xf2: {  	s30 =	sor.u32 s3, s2;
	v29 =	vand.u32 $0x2F, v32;
	v31 =	vadd.f32 v31, v46;
	v48 =	vld [tilespmem:s25+$0x80];
	v30 =	vadd.f32 v30, v47;
	v46 =	vpop (erf)  }
0xf3: {  	v41 =	vmul.u32 $0x55, v41;
	v36 =	vmul.f32 $1.562500000e-02, v36;
	v38 =	vadd.f32 v38, v43;
	v47 =	vld [tilespmem:s26+$0x80];
	v43 =	vpop (erf);
	[tilespmem:v23+s14+$0x0] =	vst.idx.msk $0xffff, v34  }
0xf4: {  	v23 =	vor.u32 s1, v11;
	v34 =	vld [tilespmem:s26+$0x0];
	[tilespmem:v37+s14+$0x0] =	vst.idx.msk $0xffff, v45;
	v30 =	vmul.f32 $1.562500000e-02, v30;
	v37 =	vmul.f32 v46, v9  }
0xf5: {  	v45 =	vshrl.u32 v23, $0x6;
	vm1 =	veq.s32 v23, $0x0;
	v23 =	vsub.f32 $0.0e+00, v42;
	v42 =	vpop (erf);
	[tilespmem:v21+s14+$0x0] =	vst.idx.msk $0xffff, v28  }
0xf6: {  	v46 =	vmul.f32 $1.562500000e-02, v35;
	v28 =	vmul.f32 $1.562500000e-02, v38;
	v24 =	vadd.f32 v24, v42;
	[tilespmem:v18+s14+$0x0] =	vst.idx.msk $0xffff, v37  }
0xf7: {  	v31 =	vmul.f32 $1.562500000e-02, v31;
	v37 =	vsub.f32 $0.0e+00, v40;
	v18 =	vsub.f32 $0.0e+00, v48;
	v35 =	vld [tilespmem:s30+$0x0];
	[tilespmem:v16+s14+$0x0] =	vst.idx.msk $0xffff, v44  }
0xf8: {  	v26 =	vmul.f32 v26, v8;
	v16 =	vsub.f32 $0.0e+00, v47;
	v38 =	vld [tilespmem:s25+$0x0];
	[tilespmem:v17+s14+$0x0] =	vst.idx.msk $0xffff, v30;
	v24 =	vmul.f32 $1.562500000e-02, v24  }
0xf9: {  	v37 =	vmul.f32 $1.442695020e+00, v37;
	v30 =	vsub.f32 $0.0e+00, v34;
	v18 =	vmul.f32 $1.442695020e+00, v18;
	v34 =	vld [tilespmem:s30+$0x80];
	[tilespmem:v25+s14+$0x0] =	vst.idx.msk $0xffff, v46;
	v21 =	vpop (erf)  }
0xfa: {  	vm1 =	vmand vm1, vm0;
	v25 =	vmul.f32 $1.442695020e+00, v16;
	v16 =	vld [tilespmem:s18+$0x100];
	[tilespmem:v20+s14+$0x0] =	vst.idx.msk $0xffff, v28;
	v21 =	vmul.f32 v21, v8  }
0xfb: {  	v23 =	vmul.f32 $1.442695020e+00, v23;
	v28 =	vsel vm1, $0xFFFFFFFF, v3;
	(erf) = vpow2.f32 v18;
	[tilespmem:v39+s14+$0x0] =	vst.idx.msk $0xffff, v36  }
0xfc: {  	v28 =	vadd.s32 v28, v45;
	v36 =	vor.u32 s28, v0;
	v18 =	vor.u32 s31, v10;
	v39 =	vld [tilespmem:s19+$0x100];
	[tilespmem:v15+s14+$0x0] =	vst.idx.msk $0xffff, v26  }
0xfd: {  	v15 =	vmul.f32 $1.442695020e+00, v30;
	v26 =	vand.u32 $0x1F, v36;
	(erf) = vpow2.f32 v37;
	[tilespmem:v14+s14+$0x0] =	vst.idx.msk $0xffff, v31;
	v30 =	vld [tilespmem:s19+$0x180];
	s19 =	smov.u32 s29  }
0xfe: {  	v35 =	vsub.f32 $0.0e+00, v35;
	v31 =	vsub.f32 $0.0e+00, v38;
	(erf) = vpow2.f32 v23;
	[tilespmem:v13+s14+$0x0] =	vst.idx.msk $0xffff, v21  }
0xff: {  	v23 =	vshrl.u32 v18, $0x6;
	v13 =	vsub.f32 $0.0e+00, v34;
	(erf) = vpow2.f32 v15;
	[tilespmem:v22+s14+$0x0] =	vst.idx.msk $0xffff, v24  }
0x100: {  	v18 =	vadd.f32 v19, v43;
	v15 =	vmul.f32 $1.442695020e+00, v35;
	v22 =	vmul.f32 $1.442695020e+00, v16;
	v19 =	vld [tilespmem:s21+$0x100]  }
0x101: {  	v21 =	vmul.f32 $1.442695020e+00, v31;
	v16 =	vadd.s32 v7, v12;
	v24 =	vld [tilespmem:s21+$0x180];
	v31 =	vmul.f32 $1.442695020e+00, v39;
	s21 =	smov.u32 s30  }
0x102: {  	(erf) = vpow2.f32 v25;
	v25 =	vmul.f32 $1.562500000e-02, v18;
	v18 =	vadd.s32 v6, v12;
	v12 =	vmovc v41  }
0x103: {  	v34 =	vmul.f32 $1.442695020e+00, v13;
	v13 =	vadd.s32 $0x3, v17;
	(erf) = vpow2.f32 v21  }
0x104: {  	v35 =	vpop (erf);
	(erf) = vpow2.f32 v15;
	[tilespmem:v33+s14+$0x0] =	vst.idx.msk $0xffff, v25;
	v15 =	vadd.s32 $0x3, v14;
	v25 =	vmul.f32 $1.442695020e+00, v30  }
0x105: {  	v21 =	vadd.s32 $0x2, v17;
	(erf) = vpow2.f32 v34;
	v30 =	vld [tilespmem:s20+$0x100];
	v17 =	vmul.f32 $1.442695020e+00, v19  }
0x106: {  	v37 =	vadd.s32 $0x2, v14;
	v33 =	vpop (erf);
	v34 =	vld [tilespmem:s20+$0x180];
	v38 =	vmul.f32 $1.442695020e+00, v24;
	(erf) = vpow2.f32 v31;
	s20 =	smov.u32 s26  }
0x107: {  	v19 =	vcvt.s32.f32 v28;
	v28 =	vadd.f32 $1.000000000e+00, v33;
	v14 =	vpop (erf);
	(erf) = vpow2.f32 v25  }
0x108: {  	v24 =	vcvt.s32.f32 v23;
	v25 =	vadd.f32 $1.000000000e+00, v35;
	v23 =	vpop (erf);
	(erf) = vpow2.f32 v17  }
0x109: {  	v17 =	vadd.f32 $1.000000000e+00, v14;
	v31 =	vadd.f32 $1.000000000e+00, v23;
	(erf) = vpow2.f32 v22  }
0x10a: {  	v14 =	vmul.u32 $0x55, v32;
	v32 =	vmul.f32 $1.442695020e+00, v30;
	(erf) = vpow2.f32 v38  }
0x10b: {  	v23 =	vadd.s32 $0x3, v20;
	v22 =	vpop (erf);
	(erf) = vrcp.f32 v25;
	v25 =	vmul.f32 $1.442695020e+00, v34  }
0x10c: {  	v33 =	vadd.f32 $1.000000000e+00, v22;
	v22 =	vadd.s32 $0x1, v14;
	v34 =	vpop (erf);
	(erf) = vrcp.f32 v17  }
0x10d: {  	v30 =	vcvt.s32.f32 v26;
	v17 =	vmul.u32 $0x55, v36;
	(erf) = vrcp.f32 v31;
	v26 =	vpop (erf)  }
0x10e: {  	v31 =	vcvt.s32.f32 v29;
	v26 =	vadd.f32 $1.000000000e+00, v26;
	v29 =	vpop (erf);
	(erf) = vpow2.f32 v25  }
0x10f: {  	v34 =	vadd.f32 $1.000000000e+00, v34;
	v25 =	vadd.s32 $0x1, v17;
	(erf) = vrcp.f32 v28;
	v28 =	vpop (erf)  }
0x110: {  	v35 =	vcvt.s32.f32 v27;
	v38 =	vadd.s32 $0x2, v20;
	(erf) = vrcp.f32 v26;
	v20 =	vpop (erf)  }
.Ltmp3:
0x111: {  	v36 =	vor.u32 s24, v10;
	v39 =	vmul.f32 v28, v9;
	(erf) = vrcp.f32 v34;
	v28 =	vpop (erf);
	(pc) =	sbr.rel @p0 .LBB2_9-.Ltmp3, $4  }
0x112: {  	v40 =	vshrl.u32 v36, $0x6;
	v27 =	vld [tilespmem:s18+$0x180];
	v34 =	vmul.f32 v28, v9;
	(erf) = vpow2.f32 v32;
	v28 =	vpop (erf);
	s18 =	smov.u32 s25  }
0x113: {  	v41 =	vadd.f32 $1.000000000e+00, v29;
	v29 =	vcvt.s32.f32 v40;
	(erf) = vrcp.f32 v33;
	v26 =	vpop (erf)  }
0x114: {  	v32 =	vor.u32 s24, v0;
	v28 =	vmul.f32 v28, v9;
	v33 =	vpop (erf);
	[tilespmem:v37+s14+$0x0] =	vst.idx.msk $0xffff, v34;
	v34 =	vmul.f32 v20, v8  }
0x115: {  	s22 =	sadd.s32 $0x200, s22;
	s24 =	sadd.s32 $0x40, s24;
	v20 =	vmul.u32 $0x55, v32;
	v35 =	vadd.f32 v35, v33;
	(erf) = vrcp.f32 v41;
	v36 =	vpop (erf);
	[tilespmem:v38+s14+$0x0] =	vst.idx.msk $0xffff, v39  }
0x116: {  	_ = 	snop  }
0x117: {  	v10 =	vpop (erf)  }
0x118: {  	v32 =	vand.u32 $0x3F, v32;
	v11 =	vpop (erf)  }
0x119: {  	v32 =	vcvt.s32.f32 v32;
	v33 =	vpop (erf)  }
0x11a: {  	v37 =	vpop (erf)  }
0x11b: {  	v49 =	vadd.s32 $0x1, v20;
	v32 =	vadd.f32 v32, v33;
	v38 =	vpop (erf)  }
0x11c: {  	v29 =	vadd.f32 v29, v36;
	v39 =	vpop (erf)  }
0x11d: {  	v31 =	vadd.f32 v31, v37;
	v32 =	vmul.f32 $1.562500000e-02, v32;
	v50 =	vpop (erf)  }
0x11e: {  	v29 =	vmul.f32 $1.562500000e-02, v29;
	v30 =	vadd.f32 v30, v38;
	v51 =	vpop (erf)  }
0x11f: {  	v31 =	vmul.f32 $1.562500000e-02, v31;
	[tilespmem:v20+s14+$0x0] =	vst.idx.msk $0xffff, v32;
	v24 =	vadd.f32 v24, v51  }
0x120: {  	v52 =	vadd.s32 v1, v12;
	v30 =	vmul.f32 $1.562500000e-02, v30;
	[tilespmem:v49+s14+$0x0] =	vst.idx.msk $0xffff, v29  }
0x121: {  	v53 =	vadd.s32 v5, v12;
	v10 =	vadd.f32 v4, v10;
	[tilespmem:v14+s14+$0x0] =	vst.idx.msk $0xffff, v31;
	v24 =	vmul.f32 $1.562500000e-02, v24  }
0x122: {  	v54 =	vmul.f32 $1.562500000e-02, v35;
	v19 =	vadd.f32 v19, v50;
	[tilespmem:v17+s14+$0x0] =	vst.idx.msk $0xffff, v30;
	v55 =	vld [tilespmem:s19+$0x100]  }
0x123: {  	v10 =	vmul.f32 $1.562500000e-02, v10;
	v56 =	vld [tilespmem:s19+$0x180];
	[tilespmem:v22+s14+$0x0] =	vst.idx.msk $0xffff, v24  }
0x124: {  	v19 =	vmul.f32 $1.562500000e-02, v19;
	[tilespmem:v25+s14+$0x0] =	vst.idx.msk $0xffff, v54;
	v22 =	vld [tilespmem:s21+$0x100]  }
0x125: {  	[tilespmem:v52+s14+$0x0] =	vst.idx.msk $0xffff, v10;
	v57 =	vld [tilespmem:s18+$0x100]  }
0x126: {  	v58 =	vmul.f32 $1.442695020e+00, v27;
	[tilespmem:v53+s14+$0x0] =	vst.idx.msk $0xffff, v19;
	v59 =	vld [tilespmem:s21+$0x180]  }
0x127: {  	v61 =	vld [tilespmem:s20+$0x180];
	v60 =	vmul.f32 $1.442695020e+00, v55  }
0x128: {  	(erf) = vpow2.f32 v58;
	v63 =	vld [tilespmem:s20+$0x100];
	v62 =	vmul.f32 $1.442695020e+00, v56  }
0x129: {  	(erf) = vpow2.f32 v60;
	v22 =	vmul.f32 $1.442695020e+00, v22  }
0x12a: {  	v33 =	vld [tilespmem:s18+$0x180];
	v10 =	vmul.f32 $1.442695020e+00, v57;
	(erf) = vpow2.f32 v62  }
0x12b: {  	v32 =	vmul.f32 $1.442695020e+00, v59;
	(erf) = vpow2.f32 v22  }
0x12c: {  	v35 =	vmul.f32 $1.442695020e+00, v61;
	(erf) = vpow2.f32 v10  }
0x12d: {  	v36 =	vmul.f32 $1.442695020e+00, v63;
	(erf) = vpow2.f32 v32  }
0x12e: {  	(erf) = vpow2.f32 v35  }
0x12f: {  	v37 =	vmul.f32 $1.442695020e+00, v33;
	(erf) = vpow2.f32 v36  }
0x130: {  	[tilespmem:v23+s14+$0x0] =	vst.idx.msk $0xffff, v34;
	v42 =	vmul.f32 v26, v8  }
0x131: {  	[tilespmem:v21+s14+$0x0] =	vst.idx.msk $0xffff, v28;
	v43 =	vadd.s32 $0x2, v20;
	v38 =	vmul.f32 v39, v9;
	v39 =	vpop (erf);
	(erf) = vpow2.f32 v37  }
0x132: {  	v46 =	vadd.s32 $0x3, v20;
	v11 =	vmul.f32 v11, v8;
	[tilespmem:v15+s14+$0x0] =	vst.idx.msk $0xffff, v42;
	v41 =	vpop (erf)  }
0x133: {  	v40 =	vadd.s32 $0x2, v14;
	[tilespmem:v18+s14+$0x0] =	vst.idx.msk $0xffff, v38;
	v45 =	vmul.f32 v39, v8;
	v44 =	vpop (erf)  }
0x134: {  	v48 =	vadd.s32 $0x2, v17;
	[tilespmem:v16+s14+$0x0] =	vst.idx.msk $0xffff, v11;
	v52 =	vmul.f32 v41, v9;
	v47 =	vpop (erf)  }
0x135: {  	[tilespmem:v13+s14+$0x0] =	vst.idx.msk $0xffff, v45;
	v57 =	vadd.s32 $0x3, v14;
	v55 =	vmul.f32 v44, v8;
	v50 =	vpop (erf)  }
0x136: {  	v51 =	vadd.s32 v6, v12;
	[tilespmem:v43+s14+$0x0] =	vst.idx.msk $0xffff, v52;
	v49 =	vmul.f32 v47, v9;
	v53 =	vpop (erf)  }
0x137: {  	v54 =	vadd.s32 v7, v12;
	[tilespmem:v46+s14+$0x0] =	vst.idx.msk $0xffff, v55;
	v20 =	vmul.f32 v50, v9;
	v56 =	vpop (erf)  }
0x138: {  	v59 =	vadd.s32 $0x3, v17;
	[tilespmem:v40+s14+$0x0] =	vst.idx.msk $0xffff, v49;
	v62 =	vmul.f32 v53, v8;
	v58 =	vpop (erf)  }
0x139: {  	[tilespmem:v48+s14+$0x0] =	vst.idx.msk $0xffff, v20;
	v60 =	vmul.f32 v58, v9  }
0x13a: {  	v61 =	vmul.f32 v56, v8;
	v63 =	vpop (erf);
	[tilespmem:v57+s14+$0x0] =	vst.idx.msk $0xffff, v62  }
0x13b: {  	s16 =	sadd.s32 $0x1, s16;
	v8 =	vmul.f32 v63, v8;
	[tilespmem:v51+s14+$0x0] =	vst.idx.msk $0xffff, v60  }
0x13c: {  	p0 =	sne.s32 s16, $0xC;
	[tilespmem:v54+s14+$0x0] =	vst.idx.msk $0xffff, v61  }
.Ltmp4:
0x13d: {  	s1 =	sadd.s32 s4, s17;
	[tilespmem:v59+s14+$0x0] =	vst.idx.msk $0xffff, v8;
	(pc) =	sbr.rel @p0 .LBB2_2-.Ltmp4, $4  }
0x13e: {  	[hbm4b:s1+s7] =	stream.strided.scatter [tilespmem:s14], [sflag:$0x1], $0xAA00, s15, s7, $0x38;
	[tilespmem:$0x15A00] =	vst v63  }
0x13f: {  	_ =	swait.ge [sflag:s13], $0xAA00  }
0x140: {  	[sflag:s13] =	ssyncset.done $0x0  }
0x141: {  	[sflag:s13] =	ssyncadd.s32 $0xFFFF5600  }
0x142: {  	s2 =	rddreg [dreg:$0x3]  }
0x143: {  	s1 =	rddreg [dreg:$0x4];
	s2 =	sadd.s32 $0x1, s2  }
0x144: {  	p0 =	sne.s32 s2, s1  }
.Ltmp5:
0x145: {  	_ = 	snop;
	(pc) =	sbr.rel @p0 .LBB2_1-.Ltmp5, $1  }
0x146: {  	_ =	sdelay $0x3  }
0x147: {  	_ =	sfence.sel $0x180000  }
0x148: {  	[bflag:$0x0] =	sbarrier.arrive $0xFFFF  }
0x149: {  	_ =	strace $0x9000004A  }
0x14a: {  	s0 =	stileid.u32;
	[bflag:$0x2] =	sbarrier.arrive $0xFFFF  }
0x14b: {  	p0 =	sne.s32 s0, $0x0;
	s0 =	rddreg [dreg:$0x2]  }
0x14c: {  	s0 =	sadd.s32 @!p0 $0x100000, s0  }
0x14d: {  	[sflag:s0] =	ssyncadd.tile.s32 @!p0 $0x1;
	_ =	shalt  }
.Lfunc_end2:
_tile_overlayer_lowered:
.L_overlay_start_2:
0x14e: {  	(tag) =	ssettag $0x2  }
0x14f: {  	s0 =	rddreg [dreg:$0x0];
	s2 =	stileid.u32  }
0x150: {  	s1 =	rddreg [dreg:$0x1];
	p0 =	sne.s32 s2, $0x0  }
0x151: {  	s3 =	rddreg [dreg:$0x2];
	[bflag:$0x3] =	sbarrier.arrive $0xFFFF;
	s2 =	simm.s32 @!p0 $0x1C01  }
0x152: {  	[timem:s3], [sflag:s2] =	dma.local @!p0 [hbm:s0], s1  }
0x153: {  	s0 =	simm.s32 @!p0 $0x1  }
0x154: {  	_ =	swait.ge @!p0 [sflag:s0], s1  }
0x155: {  	s1 =	ssub.s32 @!p0 $0x0, s1;
	[sflag:s0] =	ssyncset.done @!p0 $0x0  }
0x156: {  	[sflag:s0] =	ssyncadd.s32 @!p0 s1  }
0x157: {  	[bflag:$0x3] =	sbarrier.arrive $0xFFFF  }
0x158: {  	_ =	shalt  }

// kernel: sparse-core-data-format-call.1.cloned.1.call-start
scs
called_computation.1_lowered:
.L_overlay_start_0:
0x0: {  	s2 =	sld [smem:$0x3FD9]  }
0x1: {  	s3 =	sld [smem:$0x3FFE];
	_ =	sdelay $0x1  }
0x2: {  	s1 =	srdreg.scid  }
0x3: {  	s0 =	sand.u32 $0x1, s1  }
0x4: {  	s18 =	sshll.u32 s0, $0xA;
	s2 =	sadd.s32 s3, s2  }
0x5: {  	s2 =	sadd.s32 s2, s18  }
0x6: {  	[smem:$0x3FC7] =	sst s2  }
0x7: {  	_ = 	snop  }
0x8: {  	s2 =	sld [smem:$0x3FC9];
	(tm) =	ssettm $0x1  }
0x9: {  	s19 =	sld [smem:$0x3FFB];
	_ =	sdelay $0x3  }
0xa: {  	_ =	strace s19  }
0xb: {  	s3 =	sld [smem:$0x3FFC];
	_ =	sdelay $0x3  }
0xc: {  	_ =	strace s3  }
0xd: {  	s3 =	sld [smem:$0x3FFD];
	_ =	sdelay $0x3  }
0xe: {  	_ =	strace s3  }
0xf: {  	_ =	strace $0x8FFFFFFF  }
0x10: {  	s20 =	sld [smem:$0x3FDB];
	_ =	sdelay $0x1  }
0x11: {  	s4 =	simm.s32 $_scs_section_size  }
0x12: {  	s5 =	simm.s32 $_size__tile_overlayer_lowered;
	s6 =	simm.s32 $_tile_overlayer_lowered  }
0x13: {  	s23 =	simm.s32 $0x1BFF;
	s22 =	sshll.u32 s6, $0x1;
	s3 =	sadd.s32 s4, s20  }
0x14: {  	s7 =	simm.s32 $0x0;
	s21 =	sshll.u32 s5, $0x1;
	s5 =	sadd.s32 s22, s3  }
0x15: {  	[timem:s7], [sflag:s23] =	dma.local [hbm:s5], s21  }
0x16: {  	_ =	swait.ge [sflag:s23], s21  }
0x17: {  	s4 =	ssub.s32 $0x0, s21;
	[sflag:s23] =	ssyncset.done $0x0  }
0x18: {  	[sflag:s23] =	ssyncadd.s32 s4;
	_ =	sdelay $0x1  }
0x19: {  	s24 =	simm.s32 $0x1B8B  }
0x1a: {  	_ =	swait.ge [sflag:s24], $0x1  }
0x1b: {  	[sflag:s24] =	ssyncset.done $0x0  }
0x1c: {  	s26 =	simm.s32 $0x1B8E;
	s25 =	sld [smem:$0x3FFE];
	[sflag:s24] =	ssyncadd.s32 $0xFFFFFFFF  }
0x1d: {  	s27 =	simm.s32 $execute0_lowered;
	[smem:$0x3FD2] =	sst s26  }
0x1e: {  	s5 =	sshll.u32 s27, $0x1;
	_ =	strace $0x80000046;
	[dreg:$0x1] =	wrdreg $0xFFFFFFFF  }
0x1f: {  	s28 =	simm.s32 $_size_execute0_lowered;
	s3 =	sadd.s32 s3, s5;
	[dreg:$0x0] =	wrdreg $0x0  }
0x20: {  	s5 =	sshll.u32 s28, $0x1;
	[dreg:$0x2] =	wrdreg s3  }
0x21: {  	[dreg:$0x3] =	wrdreg s5  }
0x22: {  	[dreg:$0x4] =	wrdreg $0xC0  }
0x23: {  	_ =	task [dreg:s7], $0x5FFFF  }
0x24: {  	[dreg:$0x1] =	wrdreg $0xFFFFFFFF  }
0x25: {  	[dreg:$0x0] =	wrdreg $0x60  }
0x26: {  	[dreg:$0x2] =	wrdreg s2  }
0x27: {  	[dreg:$0x3] =	wrdreg s25  }
0x28: {  	[dreg:$0x4] =	wrdreg $0x9  }
0x29: {  	_ =	task.clear_ibuf [dreg:s7], $0x5FFFF;
	_ =	strace $0x90000046  }
0x2a: {  	s29 =	simm.s32 $0x9;
	_ =	strace $0x80000048  }
0x2b: {  	_ =	swait.ge [sflag:s29], $0x1  }
0x2c: {  	[sflag:s29] =	ssyncadd.s32 $0xFFFFFFFF  }
0x2d: {  	_ =	strace $0x90000048  }
0x2e: {  	_ =	sfence  }
0x2f: {  	s30 =	sld [smem:$0x0];
	_ =	sdelay $0x2  }
0x30: {  	s31 =	sshll.u32 s1, $0xD;
	s1 =	sshrl.u32 s1, $0x2  }
0x31: {  	s3 =	sand.u32 $0x4000, s31;
	s1 =	sadd.s32 s1, s30  }
0x32: {  	s0 =	sor.u32 s3, s0;
	s1 =	sshll.u32 s1, $0x11  }
0x33: {  	s0 =	sor.u32 s1, s0  }
0x34: {  	s0 =	sadd.s32 $0x8F2B, s0  }
0x35: {  	[sflag:s0] =	ssyncadd.remote.s32 $0x1  }
0x36: {  	_ =	sfence.sel $0xFFFF  }
0x37: {  	[dreg:$0x0] =	wrdreg $0xFFFFFFFF;
	(pc) =	sbr.abs _section_cstart, $3  }
0x38: {  	[dreg:$0x1] =	wrdreg $0xFFFFFFFF  }
0x39: {  	_ =	task.clear_ibuf [dreg:s7], $0x2FFFF;
	_ =	strace $0x9FFFFFFF  }
0x3a: {  	(tm) =	ssettm $0x7FFFFFFF  }
0x3b: {  	_ =	shalt  }
tec
execute0_lowered:
.L_overlay_start_1:
0x0: {  	(tag) =	ssettag $0x1  }
0x1: {  	s1 =	rddreg [dreg:$0x0]  }
0x2: {  	s3 =	rddreg [dreg:$0x1];
	s2 =	srdreg.scid  }
0x3: {  	s0 =	rddreg [dreg:$0x2];
	_ =	strace $0x80000047;
	s5 =	simm.s32 $0x1  }
0x4: {  	s7 =	simm.s32 $0x2;
	s15 =	simm.s32 $0x0;
	p0 =	por $0x0, $0x0  }
0x5: {  	s8 =	simm.s32 $0x40;
	s9 =	simm.s32 $0x2000;
	s16 =	simm.s32 $0x0  }
.Ltmp0:
0x6: {  	s10 =	simm.s32 $0x0;
	s2 =	sand.u32 $0x1, s2;
	(pc) =	sbr.rel .LBB1_1-.Ltmp0, $4  }
0x7: {  	s11 =	simm.s32 $0x0;
	s13 =	stileid.u32;
	s6 =	ssub.s32 $0x40, s2  }
0x8: {  	s14 =	simm.s32 $0x0;
	s4 =	sadd.s32 $0xC00, s3;
	s31 =	sshrl.u32 s6, $0x1  }
0x9: {  	[sflag:s5] =	ssyncpa.u1 $0x0;
	s3 =	stileid.u32;
	s6 =	ssub.s32 s6, s31  }
0xa: {  	[sflag:s7] =	ssyncpa.u1 $0x0;
	s12 =	smov.u32 s2;
	s7 =	sadd.s32 $0x1, s6  }
.LBB1_4:
0xb: {  	_ =	sdelay $0x3  }
0xc: {  	s24 =	sor.u32 s27, s26;
	v47 =	vld.idx.msk [tilespmem:v0+s19+$0x470 ss:$0x1], $0xffff  }
0xd: {  	v57 =	vld.idx.msk [tilespmem:v0+s24+$0x410 ss:$0x1], $0xffff  }
0xe: {  	[tilespmem:s21+$0x1860 ss:$0x41] =	vst.msk $0xffff, v8;
	v58 =	vld.idx.msk [tilespmem:v0+s24+$0x420 ss:$0x1], $0xffff  }
0xf: {  	[tilespmem:s21+$0x1C70 ss:$0x41] =	vst.msk $0xffff, v7;
	v59 =	vld.idx.msk [tilespmem:v0+s24+$0x430 ss:$0x1], $0xffff  }
0x10: {  	[tilespmem:s21+$0x2490 ss:$0x41] =	vst.msk $0xffff, v1;
	v60 =	vld.idx.msk [tilespmem:v0+s24+$0x440 ss:$0x1], $0xffff  }
0x11: {  	[tilespmem:s21+$0x28A0 ss:$0x41] =	vst.msk $0xffff, v2;
	s25 =	sand.u32 $0x3B00, s24;
	v61 =	vld.idx.msk [tilespmem:v0+s24+$0x450 ss:$0x1], $0xffff  }
0x12: {  	s23 =	sand.u32 $0x80, s23;
	[tilespmem:s21+$0x2CB0 ss:$0x41] =	vst.msk $0xffff, v3;
	v62 =	vld.idx.msk [tilespmem:v0+s24+$0x460 ss:$0x1], $0xffff;
	s18 =	sadd.s32 s25, s18  }
0x13: {  	[tilespmem:s21+$0x30C0 ss:$0x41] =	vst.msk $0xffff, v4;
	v63 =	vld.idx.msk [tilespmem:v0+s24+$0x470 ss:$0x1], $0xffff;
	s18 =	sadd.s32 s23, s18  }
0x14: {  	[tilespmem:s21+$0x34D0 ss:$0x41] =	vst.msk $0xffff, v5;
	v48 =	vld [tilespmem:s18+$0x400]  }
0x15: {  	s22 =	sshra.s32 s22, $0x2;
	[tilespmem:s21+$0x38E0 ss:$0x41] =	vst.msk $0xffff, v6;
	v49 =	vld [tilespmem:s18+$0x0]  }
0x16: {  	s19 =	sadd.s32 s22, s20;
	v50 =	vld [tilespmem:s18+$0x10];
	[tilespmem:s21+$0x3CF0 ss:$0x41] =	vst.msk $0xffff, v47  }
0x17: {  	v51 =	vld [tilespmem:s18+$0x20];
	[tilespmem:s19+$0x2490 ss:$0x41] =	vst.msk $0xffff, v57  }
0x18: {  	v52 =	vld [tilespmem:s18+$0x30];
	[tilespmem:s19+$0x28A0 ss:$0x41] =	vst.msk $0xffff, v58  }
0x19: {  	v53 =	vld [tilespmem:s18+$0x40];
	[tilespmem:s19+$0x2CB0 ss:$0x41] =	vst.msk $0xffff, v59  }
0x1a: {  	v54 =	vld [tilespmem:s18+$0x50];
	[tilespmem:s19+$0x30C0 ss:$0x41] =	vst.msk $0xffff, v60  }
0x1b: {  	p1 =	sgt.s32 s11, $0xF;
	s23 =	sshra.s32 s11, $0x1F;
	v55 =	vld [tilespmem:s18+$0x60];
	[tilespmem:s19+$0x34D0 ss:$0x41] =	vst.msk $0xffff, v61  }
0x1c: {  	s25 =	sshra.s32 s10, $0x1F;
	v56 =	vld [tilespmem:s18+$0x70];
	s18 =	smov.u32 s11;
	s20 =	sand.u32 s23, s11;
	[tilespmem:s19+$0x38E0 ss:$0x41] =	vst.msk $0xffff, v62  }
0x1d: {  	s18 =	simm.s32 @!p1 $0xF;
	p1 =	sgt.s32 s10, $0x3F;
	s21 =	smov.u32 s10;
	[tilespmem:s19+$0x3CF0 ss:$0x41] =	vst.msk $0xffff, v63  }
0x1e: {  	s26 =	sand.u32 s25, s10;
	s18 =	ssub.s32 s18, s20;
	s21 =	simm.s32 @!p1 $0x3F;
	[tilespmem:s19+$0x2080 ss:$0x41] =	vst.msk $0xffff, v48  }
0x1f: {  	s27 =	ssub.s32 $0x10, s18;
	s20 =	ssub.s32 s21, s26;
	[tilespmem:s19+$0x0 ss:$0x41] =	vst.msk $0xffff, v49  }
0x20: {  	s18 =	sadd.s32 $0xFFFFFFF1, s18;
	s21 =	smul.u32 $0xFF, s27;
	s20 =	sadd.s32 $0xFFFFFFC1, s20;
	[tilespmem:s19+$0x410 ss:$0x41] =	vst.msk $0xffff, v50  }
0x21: {  	p1 =	sgt.s32 s18, $0x0;
	[tilespmem:s19+$0x820 ss:$0x41] =	vst.msk $0xffff, v51;
	s28 =	sshll.u32 s20, $0x6  }
0x22: {  	[tilespmem:s19+$0xC30 ss:$0x41] =	vst.msk $0xffff, v52;
	s21 =	simm.s32 @p1 $0x0;
	p1 =	sgt.s32 s20, $0x0;
	s18 =	ssub.s32 $0x40, s28  }
0x23: {  	s29 =	smul.u32 $0x3FC00, s11;
	[tilespmem:s19+$0x1040 ss:$0x41] =	vst.msk $0xffff, v53;
	s18 =	simm.s32 @p1 $0x0  }
0x24: {  	s30 =	sshll.u32 s10, $0x4;
	[tilespmem:s19+$0x1450 ss:$0x41] =	vst.msk $0xffff, v54;
	s18 =	smul.u32 s21, s18  }
0x25: {  	[tilespmem:s19+$0x1860 ss:$0x41] =	vst.msk $0xffff, v55;
	s20 =	sadd.s32 s4, s29;
	s21 =	sand.u32 $0x3F0, s30  }
0x26: {  	[tilespmem:s19+$0x1C70 ss:$0x41] =	vst.msk $0xffff, v56;
	s31 =	sadd.s32 s21, s20;
	s18 =	sand.u32 $0x3FFFFFC0, s18  }
0x27: {  	[hbm4b:s31+s8] =	stream.strided.scatter [tilespmem:s17], [sflag:$0x2], s18, s9, s8, $0x18;
	[tilespmem:$0x10200] =	vst v63  }
.LBB1_5:
0x28: {  	p1 =	slt.u32 s14, $0x2  }
0x29: {  	p2 =	sgt.s32 @!p1 s16, $0xF  }
0x2a: {  	s17 =	smov.u32 s16;
	s18 =	sshra.s32 @!p1 s16, $0x1F;
	p2 =	por !p2, p1  }
0x2b: {  	s19 =	sshra.s32 @!p1 s15, $0x1F;
	s17 =	simm.s32 @p2 $0xF;
	p2 =	sgt.s32 @!p1 s15, $0x3F  }
0x2c: {  	s16 =	sand.u32 @!p1 s18, s16;
	s18 =	smov.u32 s15;
	p2 =	por !p2, p1  }
0x2d: {  	s15 =	sand.u32 @!p1 s19, s15;
	s16 =	ssub.s32 @!p1 s17, s16;
	s18 =	simm.s32 @p2 $0x3F  }
0x2e: {  	s19 =	smov.u32 s13;
	s17 =	sadd.s32 @!p1 $0xFFFFFFF1, s16;
	s15 =	ssub.s32 @!p1 s18, s15  }
0x2f: {  	s16 =	ssub.s32 @!p1 $0x10, s16;
	p2 =	sgt.s32 @!p1 s17, $0x0;
	s15 =	sadd.s32 @!p1 $0xFFFFFFC1, s15  }
0x30: {  	s16 =	smul.u32 @!p1 $0xFF, s16;
	p3 =	sgt.s32 @!p1 s15, $0x0;
	s15 =	sshll.u32 @!p1 s15, $0x6  }
0x31: {  	p2 =	por !p2, p1;
	s15 =	ssub.s32 @!p1 $0x40, s15;
	p3 =	por !p3, p1  }
0x32: {  	s17 =	sadd.s32 $0x2, s12;
	s16 =	simm.s32 @!p2 $0x0;
	s15 =	simm.s32 @!p3 $0x0  }
0x33: {  	p2 =	sgt.s32 s17, $0x3F;
	s15 =	smul.u32 @!p1 s16, s15;
	s16 =	sadd.s32 $0x10, s13  }
0x34: {  	s19 =	smov.u32 @p2 s16  }
0x35: {  	s17 =	smov.u32 @p2 s2;
	p2 =	sgt.s32 s19, $0xF  }
0x36: {  	s19 =	smov.u32 @p2 s3;
	p2 =	sne.s32 s14, s7  }
.Ltmp1:
0x37: {  	p0 =	por !p0, !p0;
	s18 =	simm.s32 @!p1 $0x2;
	(pc) =	sbr.rel @!p2 .LBB1_6-.Ltmp1, $4  }
0x38: {  	s16 =	smov.u32 s11;
	s11 =	smov.u32 s13;
	s15 =	sand.u32 @!p1 $0x3FFFFFC0, s15  }
0x39: {  	_ =	swait.ge @!p1 [sflag:s18], s15;
	s20 =	ssub.s32 @!p1 $0x0, s15;
	s15 =	smov.u32 s10  }
0x3a: {  	s14 =	sadd.s32 $0x1, s14;
	s10 =	smov.u32 s12;
	[sflag:s18] =	ssyncset.done @!p1 $0x0  }
0x3b: {  	s12 =	smov.u32 s17;
	s13 =	smov.u32 s19;
	[sflag:s18] =	ssyncadd.s32 @!p1 s20  }
.LBB1_1:
0x3c: {  	p1 =	sge.u32 s14, s6  }
0x3d: {  	s31 =	sadd.s32 $0xFFFFFFFF, s14;
	s17 =	sxor.u32 @!p1 $0xFFFFFFFF, s14;
	s18 =	sshll.u32 @!p1 s13, $0x11  }
0x3e: {  	s19 =	sshll.u32 @!p1 s12, $0xB;
	s17 =	sshll.u32 @!p1 s17, $0xE;
	s18 =	sadd.s32 @!p1 s1, s18  }
0x3f: {  	s17 =	sand.u32 @!p1 $0x4000, s17;
	s18 =	sadd.s32 @!p1 s19, s18;
	s19 =	simm.s32 @!p1 $0x0  }
0x40: {  	[tilespmem:s17], [sflag:$0x1] =	stream.linear.gather @!p1 [hbm4b:s18+s19], $0x4000, $0x38;
	[tilespmem:$0x10200] =	vst v63  }
0x41: {  	p1 =	sge.u32 s31, s6  }
.Ltmp2:
0x42: {  	_ = 	snop;
	(pc) =	sbr.rel @p1 .LBB1_5-.Ltmp2, $1  }
0x43: {  	_ =	sdelay $0x3  }
0x44: {  	s20 =	simm.s32 $0x0  }
0x45: {  	s19 =	sand.u32 $0x3800, s20;
	s21 =	sand.u32 $0x380, s20  }
0x46: {  	s17 =	sand.u32 $0x1, s14;
	s19 =	sor.u32 s21, s19  }
0x47: {  	_ =	swait.ge [sflag:s5], $0x4000;
	s18 =	sshll.u32 s17, $0xE;
	s21 =	sand.u32 $0x3B00, s19  }
0x48: {  	[sflag:s5] =	ssyncset.done $0x0;
	s20 =	sand.u32 $0x80, s20;
	s21 =	sadd.s32 s21, s18  }
0x49: {  	[sflag:s5] =	ssyncadd.s32 $0xFFFFC000;
	s23 =	sadd.s32 s20, s21  }
0x4a: {  	v4 =	vld [tilespmem:s23+$0x400]  }
0x4b: {  	s22 =	simm.s32 $0x1;
	v5 =	vld [tilespmem:s23+$0x0]  }
0x4c: {  	s22 =	simm.s32 @!p0 $0x0;
	v6 =	vld [tilespmem:s23+$0x10]  }
0x4d: {  	v0 =	vmov s18;
	s31 =	smul.u32 $0x10400, s22;
	v7 =	vld [tilespmem:s23+$0x20]  }
0x4e: {  	v9 =	vld [tilespmem:s23+$0x30]  }
0x4f: {  	s20 =	sshrl.u32 s31, $0x2;
	v10 =	vld [tilespmem:s23+$0x40]  }
0x50: {  	s20 =	sor.u32 $0x8000, s20;
	v11 =	vld [tilespmem:s23+$0x50]  }
0x51: {  	v8 =	vld [tilespmem:s23+$0x60];
	s21 =	sadd.s32 $0x0, s20  }
0x52: {  	v1 =	vld.idx.msk [tilespmem:v0+s19+$0x410 ss:$0x1], $0xffff;
	[tilespmem:s21+$0x2080 ss:$0x41] =	vst.msk $0xffff, v4  }
0x53: {  	v2 =	vld.idx.msk [tilespmem:v0+s19+$0x420 ss:$0x1], $0xffff;
	[tilespmem:s21+$0x0 ss:$0x41] =	vst.msk $0xffff, v5  }
0x54: {  	v3 =	vld.idx.msk [tilespmem:v0+s19+$0x430 ss:$0x1], $0xffff;
	[tilespmem:s21+$0x410 ss:$0x41] =	vst.msk $0xffff, v6  }
0x55: {  	s17 =	smul.u32 $0x10400, s17;
	[tilespmem:s21+$0x820 ss:$0x41] =	vst.msk $0xffff, v7;
	v7 =	vld [tilespmem:s23+$0x70]  }
0x56: {  	s24 =	simm.s32 $0x100;
	s25 =	simm.s32 $0x8;
	[tilespmem:s21+$0xC30 ss:$0x41] =	vst.msk $0xffff, v9;
	v4 =	vld.idx.msk [tilespmem:v0+s19+$0x440 ss:$0x1], $0xffff  }
0x57: {  	s26 =	sand.u32 $0x3800, s24;
	s17 =	sshrl.u32 s17, $0x2;
	[tilespmem:s21+$0x1040 ss:$0x41] =	vst.msk $0xffff, v10;
	v5 =	vld.idx.msk [tilespmem:v0+s19+$0x450 ss:$0x1], $0xffff;
	s23 =	simm.s32 $0x80  }
0x58: {  	s22 =	simm.s32 $0x4;
	s17 =	sor.u32 $0x8000, s17;
	[tilespmem:s21+$0x1450 ss:$0x41] =	vst.msk $0xffff, v11;
	v6 =	vld.idx.msk [tilespmem:v0+s19+$0x460 ss:$0x1], $0xffff;
	s27 =	sand.u32 $0x380, s23  }
.LBB1_3:
0x59: {  	p1 =	sne.s32 s25, $0xFC;
	[tilespmem:s21+$0x1860 ss:$0x41] =	vst.msk $0xffff, v8;
	v8 =	vld.idx.msk [tilespmem:v0+s19+$0x470 ss:$0x1], $0xffff;
	s19 =	sor.u32 s27, s26  }
0x5a: {  	s26 =	sand.u32 $0x3B00, s19;
	v9 =	vld.idx.msk [tilespmem:v0+s19+$0x410 ss:$0x1], $0xffff;
	[tilespmem:s21+$0x1C70 ss:$0x41] =	vst.msk $0xffff, v7  }
0x5b: {  	s27 =	sand.u32 $0x80, s23;
	s26 =	sadd.s32 s26, s18;
	v7 =	vld.idx.msk [tilespmem:v0+s19+$0x420 ss:$0x1], $0xffff;
	[tilespmem:s21+$0x2490 ss:$0x41] =	vst.msk $0xffff, v1  }
0x5c: {  	s26 =	sadd.s32 s27, s26;
	v10 =	vld.idx.msk [tilespmem:v0+s19+$0x430 ss:$0x1], $0xffff;
	[tilespmem:s21+$0x28A0 ss:$0x41] =	vst.msk $0xffff, v2  }
0x5d: {  	v11 =	vld [tilespmem:s26+$0x400];
	[tilespmem:s21+$0x2CB0 ss:$0x41] =	vst.msk $0xffff, v3  }
0x5e: {  	v12 =	vld [tilespmem:s26+$0x0];
	[tilespmem:s21+$0x30C0 ss:$0x41] =	vst.msk $0xffff, v4  }
0x5f: {  	v4 =	vld [tilespmem:s26+$0x10];
	[tilespmem:s21+$0x34D0 ss:$0x41] =	vst.msk $0xffff, v5  }
0x60: {  	s27 =	sshra.s32 s22, $0x2;
	s22 =	smov.u32 s25;
	v1 =	vmov v9;
	v5 =	vld [tilespmem:s26+$0x20];
	[tilespmem:s21+$0x38E0 ss:$0x41] =	vst.msk $0xffff, v6  }
0x61: {  	v2 =	vmov v7;
	v6 =	vld [tilespmem:s26+$0x30];
	[tilespmem:s21+$0x3CF0 ss:$0x41] =	vst.msk $0xffff, v8;
	s21 =	sadd.s32 s27, s20  }
0x62: {  	v3 =	vmov v10;
	v9 =	vld [tilespmem:s26+$0x40];
	[tilespmem:s21+$0x2080 ss:$0x41] =	vst.msk $0xffff, v11  }
0x63: {  	[tilespmem:s21+$0x0 ss:$0x41] =	vst.msk $0xffff, v12;
	v10 =	vld [tilespmem:s26+$0x50]  }
.Ltmp3:
0x64: {  	[tilespmem:s21+$0x410 ss:$0x41] =	vst.msk $0xffff, v4;
	v8 =	vld [tilespmem:s26+$0x60];
	(pc) =	sbr.rel @p1 .LBB1_3-.Ltmp3, $4  }
0x65: {  	[tilespmem:s21+$0x820 ss:$0x41] =	vst.msk $0xffff, v5;
	v7 =	vld [tilespmem:s26+$0x70]  }
0x66: {  	[tilespmem:s21+$0xC30 ss:$0x41] =	vst.msk $0xffff, v6;
	v4 =	vld.idx.msk [tilespmem:v0+s19+$0x440 ss:$0x1], $0xffff  }
0x67: {  	s23 =	sadd.s32 $0x80, s23;
	s24 =	sadd.s32 $0x100, s24;
	[tilespmem:s21+$0x1040 ss:$0x41] =	vst.msk $0xffff, v9;
	v5 =	vld.idx.msk [tilespmem:v0+s19+$0x450 ss:$0x1], $0xffff  }
0x68: {  	s25 =	sadd.s32 $0x4, s25;
	s27 =	sand.u32 $0x380, s23;
	s26 =	sand.u32 $0x3800, s24;
	[tilespmem:s21+$0x1450 ss:$0x41] =	vst.msk $0xffff, v10;
	v6 =	vld.idx.msk [tilespmem:v0+s19+$0x460 ss:$0x1], $0xffff  }
.Ltmp4:
0x69: {  	_ = 	snop;
	(pc) =	sbr.rel .LBB1_4-.Ltmp4, $1  }
0x6a: {  	_ =	sdelay $0x3  }
.LBB1_6:
0x6b: {  	_ =	sfence.sel $0x180000  }
0x6c: {  	s1 =	simm.s32 $0x1;
	[bflag:$0x0] =	sbarrier.arrive $0xFFFF  }
0x6d: {  	s31 =	simm.s32 $0x2;
	[sflag:s1] =	ssyncpa.u1 $0x1  }
0x6e: {  	[sflag:s31] =	ssyncpa.u1 $0x1  }
0x6f: {  	p0 =	sne.s32 s3, $0x0;
	_ =	strace $0x90000047  }
0x70: {  	s0 =	sadd.s32 @!p0 $0x100000, s0;
	[bflag:$0x2] =	sbarrier.arrive $0xFFFF  }
0x71: {  	[sflag:s0] =	ssyncadd.tile.s32 @!p0 $0x1;
	_ =	shalt  }
.Lfunc_end1:
_tile_overlayer_lowered:
.L_overlay_start_2:
0x72: {  	(tag) =	ssettag $0x2  }
0x73: {  	s0 =	rddreg [dreg:$0x0];
	s2 =	stileid.u32  }
0x74: {  	s1 =	rddreg [dreg:$0x1];
	p0 =	sne.s32 s2, $0x0  }
0x75: {  	s3 =	rddreg [dreg:$0x2];
	[bflag:$0x3] =	sbarrier.arrive $0xFFFF;
	s2 =	simm.s32 @!p0 $0x1C01  }
0x76: {  	[timem:s3], [sflag:s2] =	dma.local @!p0 [hbm:s0], s1  }
0x77: {  	s0 =	simm.s32 @!p0 $0x1  }
0x78: {  	_ =	swait.ge @!p0 [sflag:s0], s1  }
0x79: {  	s1 =	ssub.s32 @!p0 $0x0, s1;
	[sflag:s0] =	ssyncset.done @!p0 $0x0  }
0x7a: {  	[sflag:s0] =	ssyncadd.s32 @!p0 s1  }
0x7b: {  	[bflag:$0x3] =	sbarrier.arrive $0xFFFF  }
0x7c: {  	_ =	shalt  }

// kernel: sparse-core-data-format-call.cloned.1.call-start
scs
called_computation_lowered:
.L_overlay_start_0:
0x0: {  	s2 =	sld [smem:$0x3FD9]  }
0x1: {  	s3 =	sld [smem:$0x3FFE];
	_ =	sdelay $0x1  }
0x2: {  	s1 =	srdreg.scid  }
0x3: {  	s0 =	sand.u32 $0x1, s1  }
0x4: {  	s18 =	sshll.u32 s0, $0xA;
	s2 =	sadd.s32 s3, s2  }
0x5: {  	s2 =	sadd.s32 s2, s18  }
0x6: {  	[smem:$0x3FC7] =	sst s2  }
0x7: {  	_ = 	snop  }
0x8: {  	s2 =	sld [smem:$0x3FD0];
	(tm) =	ssettm $0x1  }
0x9: {  	s19 =	sld [smem:$0x3FFB];
	_ =	sdelay $0x3  }
0xa: {  	_ =	strace s19  }
0xb: {  	s3 =	sld [smem:$0x3FFC];
	_ =	sdelay $0x3  }
0xc: {  	_ =	strace s3  }
0xd: {  	s3 =	sld [smem:$0x3FFD];
	_ =	sdelay $0x3  }
0xe: {  	_ =	strace s3  }
0xf: {  	_ =	strace $0x8FFFFFFF  }
0x10: {  	s20 =	sld [smem:$0x3FDB];
	_ =	sdelay $0x1  }
0x11: {  	s4 =	simm.s32 $_scs_section_size  }
0x12: {  	s5 =	simm.s32 $_size__tile_overlayer_lowered;
	s6 =	simm.s32 $_tile_overlayer_lowered  }
0x13: {  	s23 =	simm.s32 $0x1BFF;
	s22 =	sshll.u32 s6, $0x1;
	s3 =	sadd.s32 s4, s20  }
0x14: {  	s7 =	simm.s32 $0x0;
	s21 =	sshll.u32 s5, $0x1;
	s5 =	sadd.s32 s22, s3  }
0x15: {  	[timem:s7], [sflag:s23] =	dma.local [hbm:s5], s21  }
0x16: {  	_ =	swait.ge [sflag:s23], s21  }
0x17: {  	s4 =	ssub.s32 $0x0, s21;
	[sflag:s23] =	ssyncset.done $0x0  }
0x18: {  	[sflag:s23] =	ssyncadd.s32 s4;
	_ =	sdelay $0x1  }
0x19: {  	s24 =	simm.s32 $0x1B8B  }
0x1a: {  	_ =	swait.ge [sflag:s24], $0x1  }
0x1b: {  	[sflag:s24] =	ssyncset.done $0x0  }
0x1c: {  	s26 =	simm.s32 $0x1B8E;
	s25 =	sld [smem:$0x3FFE];
	[sflag:s24] =	ssyncadd.s32 $0xFFFFFFFF  }
0x1d: {  	s27 =	simm.s32 $execute0_lowered;
	[smem:$0x3FD2] =	sst s26  }
0x1e: {  	s5 =	sshll.u32 s27, $0x1;
	_ =	strace $0x8000004C;
	[dreg:$0x1] =	wrdreg $0xFFFFFFFF  }
0x1f: {  	s28 =	simm.s32 $_size_execute0_lowered;
	s3 =	sadd.s32 s3, s5;
	[dreg:$0x0] =	wrdreg $0x0  }
0x20: {  	s5 =	sshll.u32 s28, $0x1;
	[dreg:$0x2] =	wrdreg s3  }
0x21: {  	[dreg:$0x3] =	wrdreg s5  }
0x22: {  	[dreg:$0x4] =	wrdreg $0xC0  }
0x23: {  	_ =	task [dreg:s7], $0x5FFFF  }
0x24: {  	[dreg:$0x1] =	wrdreg $0xFFFFFFFF  }
0x25: {  	[dreg:$0x0] =	wrdreg $0x60  }
0x26: {  	[dreg:$0x2] =	wrdreg s25  }
0x27: {  	[dreg:$0x3] =	wrdreg s2  }
0x28: {  	[dreg:$0x4] =	wrdreg $0x9  }
0x29: {  	_ =	task.clear_ibuf [dreg:s7], $0x5FFFF;
	_ =	strace $0x9000004C  }
0x2a: {  	s29 =	simm.s32 $0x9;
	_ =	strace $0x8000004E  }
0x2b: {  	_ =	swait.ge [sflag:s29], $0x1  }
0x2c: {  	[sflag:s29] =	ssyncadd.s32 $0xFFFFFFFF  }
0x2d: {  	_ =	strace $0x9000004E  }
0x2e: {  	_ =	sfence  }
0x2f: {  	s30 =	sld [smem:$0x0];
	_ =	sdelay $0x2  }
0x30: {  	s31 =	sshll.u32 s1, $0xD;
	s1 =	sshrl.u32 s1, $0x2  }
0x31: {  	s3 =	sand.u32 $0x4000, s31;
	s1 =	sadd.s32 s1, s30  }
0x32: {  	s0 =	sor.u32 s3, s0;
	s1 =	sshll.u32 s1, $0x11  }
0x33: {  	s0 =	sor.u32 s1, s0  }
0x34: {  	s0 =	sadd.s32 $0x8F2B, s0  }
0x35: {  	[sflag:s0] =	ssyncadd.remote.s32 $0x1  }
0x36: {  	_ =	sfence.sel $0xFFFF  }
0x37: {  	[dreg:$0x0] =	wrdreg $0xFFFFFFFF;
	(pc) =	sbr.abs _section_cstart, $3  }
0x38: {  	[dreg:$0x1] =	wrdreg $0xFFFFFFFF  }
0x39: {  	_ =	task.clear_ibuf [dreg:s7], $0x2FFFF;
	_ =	strace $0x9FFFFFFF  }
0x3a: {  	(tm) =	ssettm $0x7FFFFFFF  }
0x3b: {  	_ =	shalt  }
tec
execute0_lowered:
.L_overlay_start_1:
0x0: {  	(tag) =	ssettag $0x1  }
0x1: {  	s3 =	rddreg [dreg:$0x0];
	s0 =	srdreg.scid  }
0x2: {  	s1 =	rddreg [dreg:$0x1];
	s4 =	simm.s32 $0x1;
	s7 =	simm.s32 $0x2  }
0x3: {  	s14 =	simm.s32 $0x0;
	p0 =	por $0x0, $0x0;
	s15 =	simm.s32 $0x0  }
0x4: {  	s9 =	simm.s32 $0x0;
	s10 =	simm.s32 $0x0;
	s2 =	sshll.u32 s0, $0x7  }
0x5: {  	s12 =	stileid.u32;
	s13 =	simm.s32 $0x0;
	s2 =	sand.u32 $0x80, s2  }
.Ltmp0:
0x6: {  	s0 =	rddreg [dreg:$0x2];
	s6 =	ssub.s32 $0x3000, s2;
	(pc) =	sbr.rel .LBB1_1-.Ltmp0, $4  }
0x7: {  	_ =	strace $0x8000004D;
	s5 =	sadd.s32 $0x1FEC00, s3;
	s31 =	sshrl.u32 s6, $0x7  }
0x8: {  	[sflag:s4] =	ssyncpa.u1 $0x0;
	s6 =	sshrl.u32 s6, $0x8;
	s8 =	sand.u32 $0x1, s31  }
0x9: {  	s3 =	stileid.u32;
	[sflag:s7] =	ssyncpa.u1 $0x0;
	s6 =	sadd.s32 s6, s8  }
0xa: {  	s11 =	smov.u32 s2;
	s8 =	simm.s32 $0x30000;
	s7 =	sadd.s32 $0x1, s6  }
.LBB1_4:
0xb: {  	s21 =	sshrl.u32 s10, $0x3;
	s22 =	sshll.u32 s9, $0x3  }
0xc: {  	s23 =	sshll.u32 s10, $0x7;
	s24 =	sand.u32 $0x7F, s9;
	s20 =	sshra.s32 s20, $0x2  }
0xd: {  	p1 =	sgt.s32 s10, $0xF;
	s30 =	sshra.s32 s10, $0x1F;
	s25 =	sshra.s32 s9, $0x1F  }
0xe: {  	s21 =	smul.u32 $0x18000, s21;
	s22 =	sand.u32 $0xFFFFFC00, s22;
	s23 =	sand.u32 $0x380, s23  }
0xf: {  	s19 =	sadd.s32 s20, s19;
	s20 =	smov.u32 s10;
	s26 =	sand.u32 s25, s9  }
0x10: {  	v5 =	vld [tilespmem:s17+$0xFFFFFFD0];
	[tilespmem:s18+$0x2040 ss:$0x81] =	vst.msk $0xffff, v4;
	s28 =	sor.u32 s24, s23;
	s20 =	simm.s32 @!p1 $0xF;
	s24 =	sand.u32 s30, s10  }
0x11: {  	v58 =	vld [tilespmem:s17+$0xFFFFFFE0];
	[tilespmem:s18+$0x2850 ss:$0x81] =	vst.msk $0xffff, v3;
	p1 =	sgt.s32 s9, $0x2F80;
	s21 =	sadd.s32 s21, s22;
	s20 =	ssub.s32 s20, s24  }
0x12: {  	v59 =	vld [tilespmem:s17+$0xFFFFFFF0];
	[tilespmem:s18+$0x3060 ss:$0x81] =	vst.msk $0xffff, v2;
	s24 =	smov.u32 s9;
	s22 =	sor.u32 s21, s28;
	s31 =	smulhi.u32 $0xAAAAAAAB, s21  }
0x13: {  	[tilespmem:s18+$0x0 ss:$0x81] =	vst.msk $0xffff, v1;
	v60 =	vld [tilespmem:s17+$0x0];
	s24 =	simm.s32 @!p1 $0x2F80;
	s27 =	sadd.s32 $0xFFFFFFF1, s20;
	s29 =	smulhi.u32 $0xAAAAAAAB, s22  }
0x14: {  	v61 =	vld [tilespmem:s17+$0x10];
	[tilespmem:s19+$0x3870 ss:$0x81] =	vst.msk $0xffff, v0;
	s20 =	ssub.s32 $0x10, s20;
	s21 =	ssub.s32 s24, s26;
	p1 =	sgt.s32 s27, $0x0  }
0x15: {  	v62 =	vld [tilespmem:s17+$0x20];
	[tilespmem:s19+$0x810 ss:$0x81] =	vst.msk $0xffff, v5;
	s20 =	smul.u32 $0x55, s20;
	s28 =	sadd.s32 $0xFFFFD080, s21;
	s23 =	sshrl.u32 s29, $0xD  }
0x16: {  	v63 =	vld [tilespmem:s17+$0xFFFFFFC0];
	[tilespmem:s19+$0x1020 ss:$0x81] =	vst.msk $0xffff, v58;
	s21 =	ssub.s32 $0x3000, s21;
	s18 =	sshrl.u32 s31, $0xD;
	s29 =	smul.u32 $0x3000, s23  }
0x17: {  	[tilespmem:s19+$0x1830 ss:$0x81] =	vst.msk $0xffff, v59;
	p2 =	sgt.s32 s28, $0x7F;
	s20 =	simm.s32 @p1 $0x0;
	s18 =	sand.u32 $0xF, s18  }
0x18: {  	[tilespmem:s19+$0x2040 ss:$0x81] =	vst.msk $0xffff, v60;
	s21 =	simm.s32 @p2 $0x0;
	s18 =	smul.u32 $0x600, s18;
	s17 =	ssub.s32 s22, s29  }
0x19: {  	[tilespmem:s19+$0x2850 ss:$0x81] =	vst.msk $0xffff, v61;
	s20 =	smul.u32 s21, s20;
	s30 =	sshrl.u32 s17, $0x3;
	s17 =	sand.u32 $0x7, s17  }
0x1a: {  	[tilespmem:s19+$0x3060 ss:$0x81] =	vst.msk $0xffff, v62;
	s21 =	sadd.s32 s1, s30;
	s17 =	sshll.u32 s17, $0x12  }
0x1b: {  	[tilespmem:s19+$0x0 ss:$0x81] =	vst.msk $0xffff, v63;
	s31 =	sand.u32 $0x3FFFFFFF, s20;
	s18 =	sadd.s32 s18, s21;
	s17 =	sor.u32 $0x80, s17  }
0x1c: {  	[hbm4b:s18+s17] =	stream.strided.scatter [tilespmem:s16], [sflag:$0x2], s31, s8, s17, $0x20;
	[tilespmem:$0x10100] =	vst v63  }
.LBB1_5:
0x1d: {  	p1 =	slt.u32 s13, $0x2  }
0x1e: {  	s17 =	smov.u32 s15;
	p2 =	sgt.s32 @!p1 s15, $0xF;
	s16 =	sshra.s32 @!p1 s15, $0x1F  }
0x1f: {  	p3 =	sgt.s32 @!p1 s14, $0x2F80;
	s18 =	sshra.s32 @!p1 s14, $0x1F;
	p2 =	por !p2, p1  }
0x20: {  	s15 =	sand.u32 @!p1 s16, s15;
	p3 =	por !p3, p1;
	s16 =	smov.u32 s14  }
0x21: {  	s14 =	sand.u32 @!p1 s18, s14;
	s17 =	simm.s32 @p2 $0xF;
	s16 =	simm.s32 @p3 $0x2F80  }
0x22: {  	s18 =	smov.u32 s12;
	s15 =	ssub.s32 @!p1 s17, s15;
	s14 =	ssub.s32 @!p1 s16, s14  }
0x23: {  	s16 =	sadd.s32 @!p1 $0xFFFFFFF1, s15;
	s15 =	ssub.s32 @!p1 $0x10, s15;
	s17 =	sadd.s32 @!p1 $0xFFFFD080, s14  }
0x24: {  	p2 =	sgt.s32 @!p1 s16, $0x0;
	s15 =	smul.u32 @!p1 $0x55, s15;
	p3 =	sgt.s32 @!p1 s17, $0x7F  }
0x25: {  	s14 =	ssub.s32 @!p1 $0x3000, s14;
	p2 =	por !p2, p1;
	p3 =	por !p3, p1  }
0x26: {  	s16 =	sadd.s32 $0x100, s11;
	s15 =	simm.s32 @!p2 $0x0;
	s14 =	simm.s32 @!p3 $0x0  }
0x27: {  	p2 =	sgt.s32 s16, $0x2FFF;
	s14 =	smul.u32 @!p1 s14, s15;
	s15 =	sadd.s32 $0x10, s12  }
0x28: {  	s18 =	smov.u32 @p2 s15  }
0x29: {  	s16 =	smov.u32 @p2 s2;
	p2 =	sgt.s32 s18, $0xF  }
0x2a: {  	s18 =	smov.u32 @p2 s3;
	p2 =	sne.s32 s13, s7  }
.Ltmp1:
0x2b: {  	p0 =	por !p0, !p0;
	s17 =	simm.s32 @!p1 $0x2;
	(pc) =	sbr.rel @!p2 .LBB1_6-.Ltmp1, $4  }
0x2c: {  	s15 =	smov.u32 s10;
	s10 =	smov.u32 s12;
	s14 =	sand.u32 @!p1 $0x3FFFFFFF, s14  }
0x2d: {  	_ =	swait.ge @!p1 [sflag:s17], s14;
	s19 =	ssub.s32 @!p1 $0x0, s14;
	s14 =	smov.u32 s9  }
0x2e: {  	s13 =	sadd.s32 $0x1, s13;
	s9 =	smov.u32 s11;
	[sflag:s17] =	ssyncset.done @!p1 $0x0  }
0x2f: {  	s11 =	smov.u32 s16;
	s12 =	smov.u32 s18;
	[sflag:s17] =	ssyncadd.s32 @!p1 s19  }
.LBB1_1:
0x30: {  	p1 =	sge.u32 s13, s6  }
0x31: {  	s16 =	sand.u32 @!p1 $0x1FFFFFF, s11  }
0x32: {  	s17 =	smulhi.u32 @!p1 $0xAAAAAB, s16;
	_ =	sdelay $0x1  }
0x33: {  	s17 =	sshrl.u32 @!p1 s17, $0x5  }
0x34: {  	s17 =	smul.u32 @!p1 $0x3000, s17  }
0x35: {  	s18 =	smul.u32 @!p1 $0x30000, s12  }
0x36: {  	s31 =	sadd.s32 $0xFFFFFFFF, s13;
	s16 =	ssub.s32 @!p1 s16, s17;
	s17 =	sxor.u32 @!p1 $0xFFFFFFFF, s13  }
0x37: {  	s18 =	sadd.s32 @!p1 s5, s18;
	s17 =	sshll.u32 @!p1 s17, $0xE;
	s16 =	sshll.u32 @!p1 s16, $0x4  }
0x38: {  	s17 =	sand.u32 @!p1 $0x4000, s17;
	s16 =	sadd.s32 @!p1 s16, s18;
	s18 =	simm.s32 @!p1 $0x0  }
0x39: {  	[tilespmem:s17], [sflag:$0x1] =	stream.linear.gather @!p1 [hbm4b:s16+s18], $0x4000, $0x38;
	[tilespmem:$0x10100] =	vst v63  }
0x3a: {  	p1 =	sge.u32 s31, s6  }
.Ltmp2:
0x3b: {  	_ = 	snop;
	(pc) =	sbr.rel @p1 .LBB1_5-.Ltmp2, $1  }
0x3c: {  	_ =	sdelay $0x3  }
0x3d: {  	s16 =	simm.s32 $0x1  }
0x3e: {  	_ =	swait.ge [sflag:s4], $0x4000;
	s16 =	simm.s32 @!p0 $0x0  }
0x3f: {  	[sflag:s4] =	ssyncset.done $0x0;
	s17 =	sshll.u32 s16, $0xE  }
0x40: {  	[sflag:s4] =	ssyncadd.s32 $0xFFFFC000;
	s17 =	sor.u32 $0x40, s17  }
0x41: {  	s16 =	smul.u32 $0x10200, s16;
	v0 =	vld [tilespmem:s17+$0x30]  }
0x42: {  	v1 =	vld [tilespmem:s17+$0xFFFFFFD0]  }
0x43: {  	s16 =	sshrl.u32 s16, $0x2;
	v5 =	vld [tilespmem:s17+$0xFFFFFFE0]  }
0x44: {  	v6 =	vld [tilespmem:s17+$0xFFFFFFF0];
	s19 =	sor.u32 $0x8000, s16  }
0x45: {  	s31 =	sand.u32 $0x1, s13;
	v4 =	vld [tilespmem:s17+$0x0];
	s18 =	sadd.s32 $0x0, s19  }
0x46: {  	v3 =	vld [tilespmem:s17+$0x10];
	s16 =	smul.u32 $0x10200, s31;
	[tilespmem:s18+$0x3870 ss:$0x81] =	vst.msk $0xffff, v0  }
0x47: {  	v2 =	vld [tilespmem:s17+$0x20];
	[tilespmem:s18+$0x810 ss:$0x81] =	vst.msk $0xffff, v1  }
0x48: {  	s16 =	sshrl.u32 s16, $0x2;
	v1 =	vld [tilespmem:s17+$0xFFFFFFC0];
	[tilespmem:s18+$0x1020 ss:$0x81] =	vst.msk $0xffff, v5;
	s17 =	sadd.s32 $0x80, s17  }
0x49: {  	s20 =	simm.s32 $0x4;
	s21 =	simm.s32 $0x8;
	s16 =	sor.u32 $0x8000, s16;
	[tilespmem:s18+$0x1830 ss:$0x81] =	vst.msk $0xffff, v6;
	v0 =	vld [tilespmem:s17+$0x30]  }
.LBB1_3:
0x4a: {  	p1 =	sne.s32 s21, $0x1FC;
	v5 =	vld [tilespmem:s17+$0xFFFFFFD0];
	[tilespmem:s18+$0x2040 ss:$0x81] =	vst.msk $0xffff, v4  }
0x4b: {  	v6 =	vld [tilespmem:s17+$0xFFFFFFE0];
	[tilespmem:s18+$0x2850 ss:$0x81] =	vst.msk $0xffff, v3  }
0x4c: {  	s22 =	sshra.s32 s20, $0x2;
	s20 =	smov.u32 s21;
	v7 =	vld [tilespmem:s17+$0xFFFFFFF0];
	[tilespmem:s18+$0x3060 ss:$0x81] =	vst.msk $0xffff, v2  }
.Ltmp3:
0x4d: {  	v4 =	vld [tilespmem:s17+$0x0];
	[tilespmem:s18+$0x0 ss:$0x81] =	vst.msk $0xffff, v1;
	s18 =	sadd.s32 s22, s19;
	(pc) =	sbr.rel @p1 .LBB1_3-.Ltmp3, $4  }
0x4e: {  	v3 =	vld [tilespmem:s17+$0x10];
	[tilespmem:s18+$0x3870 ss:$0x81] =	vst.msk $0xffff, v0  }
0x4f: {  	[tilespmem:s18+$0x810 ss:$0x81] =	vst.msk $0xffff, v5;
	v2 =	vld [tilespmem:s17+$0x20]  }
0x50: {  	v1 =	vld [tilespmem:s17+$0xFFFFFFC0];
	[tilespmem:s18+$0x1020 ss:$0x81] =	vst.msk $0xffff, v6;
	s17 =	sadd.s32 $0x80, s17  }
0x51: {  	s21 =	sadd.s32 $0x4, s21;
	v0 =	vld [tilespmem:s17+$0x30];
	[tilespmem:s18+$0x1830 ss:$0x81] =	vst.msk $0xffff, v7  }
.Ltmp4:
0x52: {  	_ = 	snop;
	(pc) =	sbr.rel .LBB1_4-.Ltmp4, $1  }
0x53: {  	_ =	sdelay $0x3  }
.LBB1_6:
0x54: {  	_ =	sfence.sel $0x180000  }
0x55: {  	s1 =	simm.s32 $0x1;
	[bflag:$0x0] =	sbarrier.arrive $0xFFFF  }
0x56: {  	s31 =	simm.s32 $0x2;
	[sflag:s1] =	ssyncpa.u1 $0x1  }
0x57: {  	[sflag:s31] =	ssyncpa.u1 $0x1  }
0x58: {  	p0 =	sne.s32 s3, $0x0;
	_ =	strace $0x9000004D  }
0x59: {  	s0 =	sadd.s32 @!p0 $0x100000, s0;
	[bflag:$0x2] =	sbarrier.arrive $0xFFFF  }
0x5a: {  	[sflag:s0] =	ssyncadd.tile.s32 @!p0 $0x1;
	_ =	shalt  }
.Lfunc_end1:
_tile_overlayer_lowered:
.L_overlay_start_2:
0x5b: {  	(tag) =	ssettag $0x2  }
0x5c: {  	s0 =	rddreg [dreg:$0x0];
	s2 =	stileid.u32  }
0x5d: {  	s1 =	rddreg [dreg:$0x1];
	p0 =	sne.s32 s2, $0x0  }
0x5e: {  	s3 =	rddreg [dreg:$0x2];
	[bflag:$0x3] =	sbarrier.arrive $0xFFFF;
	s2 =	simm.s32 @!p0 $0x1C01  }
0x5f: {  	[timem:s3], [sflag:s2] =	dma.local @!p0 [hbm:s0], s1  }
0x60: {  	s0 =	simm.s32 @!p0 $0x1  }
0x61: {  	_ =	swait.ge @!p0 [sflag:s0], s1  }
0x62: {  	s1 =	ssub.s32 @!p0 $0x0, s1;
	[sflag:s0] =	ssyncset.done @!p0 $0x0  }
0x63: {  	[sflag:s0] =	ssyncadd.s32 @!p0 s1  }
0x64: {  	[bflag:$0x3] =	sbarrier.arrive $0xFFFF  }
0x65: {  	_ =	shalt  }

</sc_bundles>
